<compile_context>
chip_gen: v7x
topology: tpu7x:2x2x1
jax: 0.10.2.dev20260603
libtpu: 0.0.44.dev20260713+nightly
codegen_flags: <defaults>
</compile_context>

<pallas_src>
import jax
import jax.numpy as jnp
from jax import lax
from jax.experimental import pallas as pl
from jax.experimental.pallas import tpu as pltpu
from jax.experimental.pallas import tpu_sc as plsc

N_CODES = 8192
EMBED_DIM = 64
BETA = 0.25
ROWS = 8192
BLK = 512
NBLK = ROWS // BLK
EPS = 1e-12
DPAD = 128



def _tc_body(z_ref, embT_ref, prob_ref, zn_ref, idx_ref, csum_ref,
             cbT_ref, c2_ref):
    i = pl.program_id(0)

    @pl.when(i == 0)
    def _prologue():
        eT = embT_ref[...]
        n = jnp.sqrt(jnp.sum(eT * eT, axis=0, keepdims=True))
        cbT = eT / jnp.maximum(n, EPS)
        cbT_ref[...] = cbT
        c2_ref[...] = jnp.sum(cbT * cbT, axis=0, keepdims=True)
        csum_ref[...] = jnp.sum(jnp.abs(eT)).reshape(1, 1)

    zb = z_ref[...]
    zn = zb / jnp.maximum(
        jnp.sqrt(jnp.sum(zb * zb, axis=1, keepdims=True)), EPS)
    zn_ref[...] = jnp.concatenate(
        [zn, jnp.zeros((BLK, DPAD - EMBED_DIM), jnp.float32)], axis=1)
    s2 = lax.dot_general(zn + zn, cbT_ref[...], (((1,), (0,)), ((), ())),
                         preferred_element_type=jnp.float32)
    zi2 = jnp.sum(zn * zn, axis=1, keepdims=True)
    d = (zi2 + c2_ref[...]) - s2
    LW = 128
    NCH = N_CODES // LW
    vals = [d[:, c * LW:(c + 1) * LW] for c in range(NCH)]
    nv, ni = [], []
    for p in range(0, NCH, 2):
        a, b = vals[p], vals[p + 1]
        lt = b < a
        nv.append(jnp.minimum(a, b))
        ni.append(jnp.where(lt, jnp.int32(p + 1), jnp.int32(p)))
    vals, idxs = nv, ni
    while len(vals) > 1:
        nv, ni = [], []
        for p in range(0, len(vals), 2):
            a, b = vals[p], vals[p + 1]
            lt = b < a
            nv.append(jnp.minimum(a, b))
            ni.append(jnp.where(lt, idxs[p + 1], idxs[p]))
        vals, idxs = nv, ni
    finval, finchk = vals[0], idxs[0]
    dmin = jnp.min(finval, axis=1, keepdims=True)
    ex = jnp.exp(dmin - d)
    prob_ref[...] = ex / jnp.sum(ex, axis=1, keepdims=True)
    lane = lax.broadcasted_iota(jnp.int32, (BLK, LW), 1)
    gidx = finchk * LW + lane
    idx = jnp.min(jnp.where(finval == dmin, gidx, jnp.int32(N_CODES)), axis=1)
    idx_ref[0, 0, :] = idx


def _tc_stage(z_flat, embT):
    grid = (NBLK,)
    return pl.pallas_call(
        _tc_body,
        grid=grid,
        in_specs=[
            pl.BlockSpec((BLK, EMBED_DIM), lambda i: (i, 0)),
            pl.BlockSpec((EMBED_DIM, N_CODES), lambda i: (0, 0)),
        ],
        out_specs=[
            pl.BlockSpec((BLK, N_CODES), lambda i: (i, 0)),
            pl.BlockSpec((BLK, DPAD), lambda i: (i, 0)),
            pl.BlockSpec((1, 1, BLK), lambda i: (i, 0, 0)),
            pl.BlockSpec((1, 1), lambda i: (0, 0)),
        ],
        out_shape=[
            jax.ShapeDtypeStruct((ROWS, N_CODES), jnp.float32),
            jax.ShapeDtypeStruct((ROWS, DPAD), jnp.float32),
            jax.ShapeDtypeStruct((NBLK, 1, BLK), jnp.int32),
            jax.ShapeDtypeStruct((1, 1), jnp.float32),
        ],
        scratch_shapes=[
            pltpu.VMEM((EMBED_DIM, N_CODES), jnp.float32),
            pltpu.VMEM((1, N_CODES), jnp.float32),
        ],
        compiler_params=pltpu.CompilerParams(
            vmem_limit_bytes=100 * 1024 * 1024),
    )(z_flat, embT)



_SC_CHUNK = 128
_NW = 32
_BPW = ROWS // _NW
_VPR = DPAD // 16


def _sc_body(zn_hbm, idx_hbm, emb_hbm, part_hbm,
             idx_a, idx_b, rows_a, rows_b, za, zb, part_v,
             sem_i, sem_z, sem_g, sem_o):
    wid = lax.axis_index("s") * 2 + lax.axis_index("c")
    base = wid * _BPW
    ci1 = pltpu.async_copy(idx_hbm.at[pl.ds(base, _SC_CHUNK)], idx_a, sem_i)
    ci2 = pltpu.async_copy(
        idx_hbm.at[pl.ds(base + _SC_CHUNK, _SC_CHUNK)], idx_b, sem_i)
    cz1 = pltpu.async_copy(zn_hbm.at[pl.ds(base, _SC_CHUNK)], za, sem_z)
    cz2 = pltpu.async_copy(
        zn_hbm.at[pl.ds(base + _SC_CHUNK, _SC_CHUNK)], zb, sem_z)
    ci1.wait()
    ci2.wait()
    ca = pltpu.async_copy(zn_hbm.at[idx_a], rows_a, sem_g)
    cb = pltpu.async_copy(zn_hbm.at[idx_b], rows_b, sem_g)
    cz1.wait()
    cz2.wait()
    ca.wait()
    cb.wait()
    co1 = pltpu.async_copy(rows_a, emb_hbm.at[pl.ds(base, _SC_CHUNK)], sem_o)
    co2 = pltpu.async_copy(
        rows_b, emb_hbm.at[pl.ds(base + _SC_CHUNK, _SC_CHUNK)], sem_o)

    def row_sum(r, acc, zv, gv):
        for c in range(_VPR):
            dlt = zv[r, pl.ds(c * 16, 16)] - gv[r, pl.ds(c * 16, 16)]
            acc = acc + dlt * dlt
        return acc

    acc = jnp.zeros((16,), jnp.float32)
    acc = lax.fori_loop(
        0, _SC_CHUNK, lambda r, a: row_sum(r, a, za, rows_a), acc)
    acc = lax.fori_loop(
        0, _SC_CHUNK, lambda r, a: row_sum(r, a, zb, rows_b), acc)
    part_v[...] = acc
    co1.wait()
    co2.wait()
    pltpu.sync_copy(part_v, part_hbm.at[wid])


def _sc_stage(zn, idx):
    mesh = plsc.VectorSubcoreMesh(core_axis_name="c", subcore_axis_name="s")
    return pl.kernel(
        _sc_body,
        out_type=[
            jax.ShapeDtypeStruct((ROWS, DPAD), jnp.float32),
            jax.ShapeDtypeStruct((_NW, 16), jnp.float32),
        ],
        mesh=mesh,
        scratch_types=[
            pltpu.VMEM((_SC_CHUNK,), jnp.int32),
            pltpu.VMEM((_SC_CHUNK,), jnp.int32),
            pltpu.VMEM((_SC_CHUNK, DPAD), jnp.float32),
            pltpu.VMEM((_SC_CHUNK, DPAD), jnp.float32),
            pltpu.VMEM((_SC_CHUNK, DPAD), jnp.float32),
            pltpu.VMEM((_SC_CHUNK, DPAD), jnp.float32),
            pltpu.VMEM((16,), jnp.float32),
            pltpu.SemaphoreType.DMA,
            pltpu.SemaphoreType.DMA,
            pltpu.SemaphoreType.DMA,
            pltpu.SemaphoreType.DMA,
        ],
    )(zn, idx)




def kernel(z, embeddings):
    b, d, h, w = z.shape
    z_flat = jnp.transpose(z, (0, 2, 3, 1)).reshape(-1, d)
    prob, zn, idx, csum = _tc_stage(z_flat, embeddings.T)
    emb, parts = _sc_stage(zn, idx.reshape(ROWS))
    commitment = jnp.sum(parts) / jnp.float32(ROWS * EMBED_DIM)
    loss = jnp.float32(BETA) * commitment
    q = jnp.transpose(emb[:, :EMBED_DIM].reshape(b, h, w, d), (0, 3, 1, 2))
    return (q, commitment, loss, csum.reshape(()), prob)

# --- scband reference (transcript-rebuilt; emitter-appended) ---
"""Pipeline reference for scband-emavector-quantizer-8976481649065 (READ-ONLY COPY).

The authoritative reference and input builder live on the scoring server;
editing this copy changes nothing except your own understanding.
"""

import jax, jax.numpy as jnp
import numpy as np

N_CODES = 8192
EMBED_DIM = 64
BETA = 0.25


def setup_inputs(seed: int = 0) -> dict:
    key = jax.random.key(seed)
    k1, k2 = jax.random.split(key)
    z = jax.random.normal(k1, (8, EMBED_DIM, 32, 32), dtype=jnp.float32)
    embeddings = jax.random.uniform(k2, (N_CODES, EMBED_DIM), dtype=jnp.float32,
                                    minval=-1.0 / N_CODES, maxval=1.0 / N_CODES)
    return {"z": z, "embeddings": embeddings}


def _l2_normalize(x, axis=1, eps=1e-12):
    # matches F.normalize(x, dim=axis): x / max(||x||, eps)
    n = jnp.linalg.norm(x, axis=axis, keepdims=True)
    return x / jnp.maximum(n, eps)


def reference(z, embeddings):
    # eval-mode forward (self.training == False, _need_init == False)
    zp = jnp.transpose(z, (0, 2, 3, 1))  # b, h, w, d
    b, h, w, d = zp.shape
    flat_inputs = zp.reshape(-1, d)
    z_norm = _l2_normalize(flat_inputs, axis=1)
    codebook_norm = _l2_normalize(embeddings, axis=1)
    distances = (jnp.sum(z_norm ** 2, axis=1, keepdims=True)
                 + jnp.sum(codebook_norm ** 2, axis=1)
                 - 2.0 * jnp.matmul(z_norm, codebook_norm.T))
    distance_prob = jax.nn.softmax(-distances * 1.0, axis=1)
    encoding_indices = jnp.argmin(distances, axis=1)
    # NB: the original module does F.embedding(encoding_indices, z_norm),
    # i.e. it gathers rows of z_norm (not the codebook). Faithfully reproduced.
    emb = jnp.take(z_norm, encoding_indices, axis=0)
    commitment_loss = jnp.mean((z_norm - jax.lax.stop_gradient(emb)) ** 2)
    loss = BETA * commitment_loss
    codebook_sum = jnp.sum(jnp.abs(embeddings))
    q = jnp.transpose(emb.reshape(b, h, w, -1), (0, 3, 1, 2))
    return (q, commitment_loss, loss, codebook_sum, distance_prob)

if __name__ == "__main__":
    import jax
    _d = setup_inputs()
    print(jax.jit(kernel)(*tuple(_d.values())))

</pallas_src>

<mosaic_0001>
#map = affine_map<(d0, d1) -> (0, 0)>
#map1 = affine_map<(d0, d1) -> (0)>
module attributes {stable_mosaic.version = 14 : i64} {
  func.func @_sc_body(%arg0: i32, %arg1: i32, %arg2: memref<8192x128xf32, #tpu.memory_space<hbm>>, %arg3: memref<8192xi32, #tpu.memory_space<hbm>>, %arg4: memref<8192x128xf32, #tpu.memory_space<hbm>>, %arg5: memref<32x16xf32, #tpu.memory_space<hbm>>, %arg6: memref<128xi32, #tpu.memory_space<vmem>>, %arg7: memref<128xi32, #tpu.memory_space<vmem>>, %arg8: memref<128x128xf32, #tpu.memory_space<vmem>>, %arg9: memref<128x128xf32, #tpu.memory_space<vmem>>, %arg10: memref<128x128xf32, #tpu.memory_space<vmem>>, %arg11: memref<128x128xf32, #tpu.memory_space<vmem>>, %arg12: memref<16xf32, #tpu.memory_space<vmem>>, %arg13: memref<!tpu.dma_semaphore, #tpu.memory_space<semaphore_mem>>, %arg14: memref<!tpu.dma_semaphore, #tpu.memory_space<semaphore_mem>>, %arg15: memref<!tpu.dma_semaphore, #tpu.memory_space<semaphore_mem>>, %arg16: memref<!tpu.dma_semaphore, #tpu.memory_space<semaphore_mem>>) attributes {dimension_semantics = [#tpu.dimension_semantics<core_parallel>, #tpu.dimension_semantics<subcore_parallel>], iteration_bounds = array<i64: 2, 16>, scalar_prefetch = 0 : i64, scratch_operands = 11 : i64, tpu.core_type = #tpu.core_type<sc_vector_subcore>, window_params = [{transform_indices = #map}, {transform_indices = #map1}, {transform_indices = #map}, {transform_indices = #map}]} {
    %mul3A = arith.constant 2 : i32
    %mul3A_0 = arith.muli %arg1, %mul3A : i32
    %add3A = arith.addi %mul3A_0, %arg0 : i32
    %mul3A_1 = arith.constant 256 : i32
    %mul3A_2 = arith.muli %add3A, %mul3A_1 : i32
    %dma_start3A = tpu.memref_slice %arg3[%mul3A_2] : memref<8192xi32, #tpu.memory_space<hbm>> -> memref<128xi32, #tpu.memory_space<hbm>>
    %dma_start3A_3 = tpu.memref_slice %arg3[%mul3A_2] : memref<8192xi32, #tpu.memory_space<hbm>> -> memref<128xi32, #tpu.memory_space<hbm>>
    tpu.enqueue_dma source(%dma_start3A_3 : memref<128xi32, #tpu.memory_space<hbm>>) target(%arg6 : memref<128xi32, #tpu.memory_space<vmem>>) target_semaphore(%arg13 : memref<!tpu.dma_semaphore, #tpu.memory_space<semaphore_mem>>)
    %add3A_4 = arith.constant 128 : i32
    %add3A_5 = arith.addi %mul3A_2, %add3A_4 : i32
    %dma_start3A_6 = tpu.memref_slice %arg3[%add3A_5] : memref<8192xi32, #tpu.memory_space<hbm>> -> memref<128xi32, #tpu.memory_space<hbm>>
    %dma_start3A_7 = tpu.memref_slice %arg3[%add3A_5] : memref<8192xi32, #tpu.memory_space<hbm>> -> memref<128xi32, #tpu.memory_space<hbm>>
    tpu.enqueue_dma source(%dma_start3A_7 : memref<128xi32, #tpu.memory_space<hbm>>) target(%arg7 : memref<128xi32, #tpu.memory_space<vmem>>) target_semaphore(%arg13 : memref<!tpu.dma_semaphore, #tpu.memory_space<semaphore_mem>>)
    %dma_start3A_8 = arith.constant 0 : i32
    %dma_start3A_9 = tpu.memref_slice %arg2[%mul3A_2, %dma_start3A_8] : memref<8192x128xf32, #tpu.memory_space<hbm>> -> memref<128x128xf32, #tpu.memory_space<hbm>>
    %dma_start3A_10 = arith.constant 0 : i32
    %dma_start3A_11 = tpu.memref_slice %arg2[%mul3A_2, %dma_start3A_10] : memref<8192x128xf32, #tpu.memory_space<hbm>> -> memref<128x128xf32, #tpu.memory_space<hbm>>
    tpu.enqueue_dma source(%dma_start3A_11 : memref<128x128xf32, #tpu.memory_space<hbm>>) target(%arg10 : memref<128x128xf32, #tpu.memory_space<vmem>>) target_semaphore(%arg14 : memref<!tpu.dma_semaphore, #tpu.memory_space<semaphore_mem>>)
    %add3A_12 = arith.constant 128 : i32
    %add3A_13 = arith.addi %mul3A_2, %add3A_12 : i32
    %dma_start3A_14 = arith.constant 0 : i32
    %dma_start3A_15 = tpu.memref_slice %arg2[%add3A_13, %dma_start3A_14] : memref<8192x128xf32, #tpu.memory_space<hbm>> -> memref<128x128xf32, #tpu.memory_space<hbm>>
    %dma_start3A_16 = arith.constant 0 : i32
    %dma_start3A_17 = tpu.memref_slice %arg2[%add3A_13, %dma_start3A_16] : memref<8192x128xf32, #tpu.memory_space<hbm>> -> memref<128x128xf32, #tpu.memory_space<hbm>>
    tpu.enqueue_dma source(%dma_start3A_17 : memref<128x128xf32, #tpu.memory_space<hbm>>) target(%arg11 : memref<128x128xf32, #tpu.memory_space<vmem>>) target_semaphore(%arg14 : memref<!tpu.dma_semaphore, #tpu.memory_space<semaphore_mem>>)
    %dma_wait3A = tpu.memref_slice %arg3[%mul3A_2] : memref<8192xi32, #tpu.memory_space<hbm>> -> memref<128xi32, #tpu.memory_space<hbm>>
    %dma_wait3A_18 = tpu.memref_slice %arg3[%mul3A_2] : memref<8192xi32, #tpu.memory_space<hbm>> -> memref<128xi32, #tpu.memory_space<hbm>>
    tpu.wait_dma2 semaphore(%arg13 : memref<!tpu.dma_semaphore, #tpu.memory_space<semaphore_mem>>) src(%dma_wait3A_18 : memref<128xi32, #tpu.memory_space<hbm>>) dst(%arg6 : memref<128xi32, #tpu.memory_space<vmem>>)
    %dma_wait3A_19 = tpu.memref_slice %arg3[%add3A_5] : memref<8192xi32, #tpu.memory_space<hbm>> -> memref<128xi32, #tpu.memory_space<hbm>>
    %dma_wait3A_20 = tpu.memref_slice %arg3[%add3A_5] : memref<8192xi32, #tpu.memory_space<hbm>> -> memref<128xi32, #tpu.memory_space<hbm>>
    tpu.wait_dma2 semaphore(%arg13 : memref<!tpu.dma_semaphore, #tpu.memory_space<semaphore_mem>>) src(%dma_wait3A_20 : memref<128xi32, #tpu.memory_space<hbm>>) dst(%arg7 : memref<128xi32, #tpu.memory_space<vmem>>)
    %dma_start3A_21 = arith.constant 0 : i32
    %dma_start3A_22 = arith.constant 0 : i32
    %dma_start3A_23 = tpu.memref_slice %arg2[%dma_start3A_21, %dma_start3A_22] : memref<8192x128xf32, #tpu.memory_space<hbm>> -> memref<8192x128xf32, #tpu.memory_space<hbm>>
    tpu.enqueue_indirect_dma source(%dma_start3A_23 : memref<8192x128xf32, #tpu.memory_space<hbm>>) target(%arg8 : memref<128x128xf32, #tpu.memory_space<vmem>>) offsets(%arg6 : memref<128xi32, #tpu.memory_space<vmem>>) semaphore(%arg15 : memref<!tpu.dma_semaphore, #tpu.memory_space<semaphore_mem>>)
    %dma_start3A_24 = arith.constant 0 : i32
    %dma_start3A_25 = arith.constant 0 : i32
    %dma_start3A_26 = tpu.memref_slice %arg2[%dma_start3A_24, %dma_start3A_25] : memref<8192x128xf32, #tpu.memory_space<hbm>> -> memref<8192x128xf32, #tpu.memory_space<hbm>>
    tpu.enqueue_indirect_dma source(%dma_start3A_26 : memref<8192x128xf32, #tpu.memory_space<hbm>>) target(%arg9 : memref<128x128xf32, #tpu.memory_space<vmem>>) offsets(%arg7 : memref<128xi32, #tpu.memory_space<vmem>>) semaphore(%arg15 : memref<!tpu.dma_semaphore, #tpu.memory_space<semaphore_mem>>)
    %dma_wait3A_27 = arith.constant 0 : i32
    %dma_wait3A_28 = tpu.memref_slice %arg2[%mul3A_2, %dma_wait3A_27] : memref<8192x128xf32, #tpu.memory_space<hbm>> -> memref<128x128xf32, #tpu.memory_space<hbm>>
    %dma_wait3A_29 = arith.constant 0 : i32
    %dma_wait3A_30 = tpu.memref_slice %arg2[%mul3A_2, %dma_wait3A_29] : memref<8192x128xf32, #tpu.memory_space<hbm>> -> memref<128x128xf32, #tpu.memory_space<hbm>>
    tpu.wait_dma2 semaphore(%arg14 : memref<!tpu.dma_semaphore, #tpu.memory_space<semaphore_mem>>) src(%dma_wait3A_30 : memref<128x128xf32, #tpu.memory_space<hbm>>) dst(%arg10 : memref<128x128xf32, #tpu.memory_space<vmem>>)
    %dma_wait3A_31 = arith.constant 0 : i32
    %dma_wait3A_32 = tpu.memref_slice %arg2[%add3A_13, %dma_wait3A_31] : memref<8192x128xf32, #tpu.memory_space<hbm>> -> memref<128x128xf32, #tpu.memory_space<hbm>>
    %dma_wait3A_33 = arith.constant 0 : i32
    %dma_wait3A_34 = tpu.memref_slice %arg2[%add3A_13, %dma_wait3A_33] : memref<8192x128xf32, #tpu.memory_space<hbm>> -> memref<128x128xf32, #tpu.memory_space<hbm>>
    tpu.wait_dma2 semaphore(%arg14 : memref<!tpu.dma_semaphore, #tpu.memory_space<semaphore_mem>>) src(%dma_wait3A_34 : memref<128x128xf32, #tpu.memory_space<hbm>>) dst(%arg11 : memref<128x128xf32, #tpu.memory_space<vmem>>)
    %dma_wait3A_35 = arith.constant 0 : i32
    %dma_wait3A_36 = arith.constant 0 : i32
    %dma_wait3A_37 = tpu.memref_slice %arg2[%dma_wait3A_35, %dma_wait3A_36] : memref<8192x128xf32, #tpu.memory_space<hbm>> -> memref<8192x128xf32, #tpu.memory_space<hbm>>
    tpu.wait_indirect_dma semaphore(%arg15 : memref<!tpu.dma_semaphore, #tpu.memory_space<semaphore_mem>>) src(%dma_wait3A_37 : memref<8192x128xf32, #tpu.memory_space<hbm>>) dst(%arg8 : memref<128x128xf32, #tpu.memory_space<vmem>>)
    %dma_wait3A_38 = arith.constant 0 : i32
    %dma_wait3A_39 = arith.constant 0 : i32
    %dma_wait3A_40 = tpu.memref_slice %arg2[%dma_wait3A_38, %dma_wait3A_39] : memref<8192x128xf32, #tpu.memory_space<hbm>> -> memref<8192x128xf32, #tpu.memory_space<hbm>>
    tpu.wait_indirect_dma semaphore(%arg15 : memref<!tpu.dma_semaphore, #tpu.memory_space<semaphore_mem>>) src(%dma_wait3A_40 : memref<8192x128xf32, #tpu.memory_space<hbm>>) dst(%arg9 : memref<128x128xf32, #tpu.memory_space<vmem>>)
    %dma_start3A_41 = arith.constant 0 : i32
    %dma_start3A_42 = tpu.memref_slice %arg4[%mul3A_2, %dma_start3A_41] : memref<8192x128xf32, #tpu.memory_space<hbm>> -> memref<128x128xf32, #tpu.memory_space<hbm>>
    %dma_start3A_43 = arith.constant 0 : i32
    %dma_start3A_44 = tpu.memref_slice %arg4[%mul3A_2, %dma_start3A_43] : memref<8192x128xf32, #tpu.memory_space<hbm>> -> memref<128x128xf32, #tpu.memory_space<hbm>>
    tpu.enqueue_dma source(%arg8 : memref<128x128xf32, #tpu.memory_space<vmem>>) target(%dma_start3A_44 : memref<128x128xf32, #tpu.memory_space<hbm>>) target_semaphore(%arg16 : memref<!tpu.dma_semaphore, #tpu.memory_space<semaphore_mem>>)
    %add3A_45 = arith.constant 128 : i32
    %add3A_46 = arith.addi %mul3A_2, %add3A_45 : i32
    %dma_start3A_47 = arith.constant 0 : i32
    %dma_start3A_48 = tpu.memref_slice %arg4[%add3A_46, %dma_start3A_47] : memref<8192x128xf32, #tpu.memory_space<hbm>> -> memref<128x128xf32, #tpu.memory_space<hbm>>
    %dma_start3A_49 = arith.constant 0 : i32
    %dma_start3A_50 = tpu.memref_slice %arg4[%add3A_46, %dma_start3A_49] : memref<8192x128xf32, #tpu.memory_space<hbm>> -> memref<128x128xf32, #tpu.memory_space<hbm>>
    tpu.enqueue_dma source(%arg9 : memref<128x128xf32, #tpu.memory_space<vmem>>) target(%dma_start3A_50 : memref<128x128xf32, #tpu.memory_space<hbm>>) target_semaphore(%arg16 : memref<!tpu.dma_semaphore, #tpu.memory_space<semaphore_mem>>)
    %broadcast_in_dim3A = arith.constant 0.000000e+00 : f32
    %broadcast_in_dim3A_51 = vector.broadcast %broadcast_in_dim3A : f32 to vector<16xf32>
    %scan3A = arith.constant 0 : i32
    %scan3A_52 = arith.constant 128 : i32
    %scan3A_53 = arith.addi %scan3A, %scan3A_52 : i32
    %scan3A_54 = arith.constant 1 : i32
    %scan3A_55 = scf.for %scan3A_74 = %scan3A to %scan3A_53 step %scan3A_54 iter_args(%scan3A_75 = %broadcast_in_dim3A_51) -> (vector<16xf32>)  : i32 {
      %get3A = arith.index_cast %scan3A_74 : i32 to index
      %get3A_76 = arith.constant 0 : index
      %get3A_77 = tpu.vector_load %arg10[%get3A, %get3A_76] {strides = array<i32>} : memref<128x128xf32, #tpu.memory_space<vmem>>, vector<1x16xf32>,
      %get3A_78 = vector.shape_cast %get3A_77 : vector<1x16xf32> to vector<16xf32>
      %get3A_79 = arith.index_cast %scan3A_74 : i32 to index
      %get3A_80 = arith.constant 0 : index
      %get3A_81 = tpu.vector_load %arg8[%get3A_79, %get3A_80] {strides = array<i32>} : memref<128x128xf32, #tpu.memory_space<vmem>>, vector<1x16xf32>,
      %get3A_82 = vector.shape_cast %get3A_81 : vector<1x16xf32> to vector<16xf32>
      %sub3A = arith.subf %get3A_78, %get3A_82 : vector<16xf32>
      %mul3A_83 = arith.mulf %sub3A, %sub3A : vector<16xf32>
      %add3A_84 = arith.addf %scan3A_75, %mul3A_83 : vector<16xf32>
      %get3A_85 = arith.index_cast %scan3A_74 : i32 to index
      %get3A_86 = arith.constant 16 : index
      %get3A_87 = tpu.vector_load %arg10[%get3A_85, %get3A_86] {strides = array<i32>} : memref<128x128xf32, #tpu.memory_space<vmem>>, vector<1x16xf32>,
      %get3A_88 = vector.shape_cast %get3A_87 : vector<1x16xf32> to vector<16xf32>
      %get3A_89 = arith.index_cast %scan3A_74 : i32 to index
      %get3A_90 = arith.constant 16 : index
      %get3A_91 = tpu.vector_load %arg8[%get3A_89, %get3A_90] {strides = array<i32>} : memref<128x128xf32, #tpu.memory_space<vmem>>, vector<1x16xf32>,
      %get3A_92 = vector.shape_cast %get3A_91 : vector<1x16xf32> to vector<16xf32>
      %sub3A_93 = arith.subf %get3A_88, %get3A_92 : vector<16xf32>
      %mul3A_94 = arith.mulf %sub3A_93, %sub3A_93 : vector<16xf32>
      %add3A_95 = arith.addf %add3A_84, %mul3A_94 : vector<16xf32>
      %get3A_96 = arith.index_cast %scan3A_74 : i32 to index
      %get3A_97 = arith.constant 32 : index
      %get3A_98 = tpu.vector_load %arg10[%get3A_96, %get3A_97] {strides = array<i32>} : memref<128x128xf32, #tpu.memory_space<vmem>>, vector<1x16xf32>,
      %get3A_99 = vector.shape_cast %get3A_98 : vector<1x16xf32> to vector<16xf32>
      %get3A_100 = arith.index_cast %scan3A_74 : i32 to index
      %get3A_101 = arith.constant 32 : index
      %get3A_102 = tpu.vector_load %arg8[%get3A_100, %get3A_101] {strides = array<i32>} : memref<128x128xf32, #tpu.memory_space<vmem>>, vector<1x16xf32>,
      %get3A_103 = vector.shape_cast %get3A_102 : vector<1x16xf32> to vector<16xf32>
      %sub3A_104 = arith.subf %get3A_99, %get3A_103 : vector<16xf32>
      %mul3A_105 = arith.mulf %sub3A_104, %sub3A_104 : vector<16xf32>
      %add3A_106 = arith.addf %add3A_95, %mul3A_105 : vector<16xf32>
      %get3A_107 = arith.index_cast %scan3A_74 : i32 to index
      %get3A_108 = arith.constant 48 : index
      %get3A_109 = tpu.vector_load %arg10[%get3A_107, %get3A_108] {strides = array<i32>} : memref<128x128xf32, #tpu.memory_space<vmem>>, vector<1x16xf32>,
      %get3A_110 = vector.shape_cast %get3A_109 : vector<1x16xf32> to vector<16xf32>
      %get3A_111 = arith.index_cast %scan3A_74 : i32 to index
      %get3A_112 = arith.constant 48 : index
      %get3A_113 = tpu.vector_load %arg8[%get3A_111, %get3A_112] {strides = array<i32>} : memref<128x128xf32, #tpu.memory_space<vmem>>, vector<1x16xf32>,
      %get3A_114 = vector.shape_cast %get3A_113 : vector<1x16xf32> to vector<16xf32>
      %sub3A_115 = arith.subf %get3A_110, %get3A_114 : vector<16xf32>
      %mul3A_116 = arith.mulf %sub3A_115, %sub3A_115 : vector<16xf32>
      %add3A_117 = arith.addf %add3A_106, %mul3A_116 : vector<16xf32>
      %get3A_118 = arith.index_cast %scan3A_74 : i32 to index
      %get3A_119 = arith.constant 64 : index
      %get3A_120 = tpu.vector_load %arg10[%get3A_118, %get3A_119] {strides = array<i32>} : memref<128x128xf32, #tpu.memory_space<vmem>>, vector<1x16xf32>,
      %get3A_121 = vector.shape_cast %get3A_120 : vector<1x16xf32> to vector<16xf32>
      %get3A_122 = arith.index_cast %scan3A_74 : i32 to index
      %get3A_123 = arith.constant 64 : index
      %get3A_124 = tpu.vector_load %arg8[%get3A_122, %get3A_123] {strides = array<i32>} : memref<128x128xf32, #tpu.memory_space<vmem>>, vector<1x16xf32>,
      %get3A_125 = vector.shape_cast %get3A_124 : vector<1x16xf32> to vector<16xf32>
      %sub3A_126 = arith.subf %get3A_121, %get3A_125 : vector<16xf32>
      %mul3A_127 = arith.mulf %sub3A_126, %sub3A_126 : vector<16xf32>
      %add3A_128 = arith.addf %add3A_117, %mul3A_127 : vector<16xf32>
      %get3A_129 = arith.index_cast %scan3A_74 : i32 to index
      %get3A_130 = arith.constant 80 : index
      %get3A_131 = tpu.vector_load %arg10[%get3A_129, %get3A_130] {strides = array<i32>} : memref<128x128xf32, #tpu.memory_space<vmem>>, vector<1x16xf32>,
      %get3A_132 = vector.shape_cast %get3A_131 : vector<1x16xf32> to vector<16xf32>
      %get3A_133 = arith.index_cast %scan3A_74 : i32 to index
      %get3A_134 = arith.constant 80 : index
      %get3A_135 = tpu.vector_load %arg8[%get3A_133, %get3A_134] {strides = array<i32>} : memref<128x128xf32, #tpu.memory_space<vmem>>, vector<1x16xf32>,
      %get3A_136 = vector.shape_cast %get3A_135 : vector<1x16xf32> to vector<16xf32>
      %sub3A_137 = arith.subf %get3A_132, %get3A_136 : vector<16xf32>
      %mul3A_138 = arith.mulf %sub3A_137, %sub3A_137 : vector<16xf32>
      %add3A_139 = arith.addf %add3A_128, %mul3A_138 : vector<16xf32>
      %get3A_140 = arith.index_cast %scan3A_74 : i32 to index
      %get3A_141 = arith.constant 96 : index
      %get3A_142 = tpu.vector_load %arg10[%get3A_140, %get3A_141] {strides = array<i32>} : memref<128x128xf32, #tpu.memory_space<vmem>>, vector<1x16xf32>,
      %get3A_143 = vector.shape_cast %get3A_142 : vector<1x16xf32> to vector<16xf32>
      %get3A_144 = arith.index_cast %scan3A_74 : i32 to index
      %get3A_145 = arith.constant 96 : index
      %get3A_146 = tpu.vector_load %arg8[%get3A_144, %get3A_145] {strides = array<i32>} : memref<128x128xf32, #tpu.memory_space<vmem>>, vector<1x16xf32>,
      %get3A_147 = vector.shape_cast %get3A_146 : vector<1x16xf32> to vector<16xf32>
      %sub3A_148 = arith.subf %get3A_143, %get3A_147 : vector<16xf32>
      %mul3A_149 = arith.mulf %sub3A_148, %sub3A_148 : vector<16xf32>
      %add3A_150 = arith.addf %add3A_139, %mul3A_149 : vector<16xf32>
      %get3A_151 = arith.index_cast %scan3A_74 : i32 to index
      %get3A_152 = arith.constant 112 : index
      %get3A_153 = tpu.vector_load %arg10[%get3A_151, %get3A_152] {strides = array<i32>} : memref<128x128xf32, #tpu.memory_space<vmem>>, vector<1x16xf32>,
      %get3A_154 = vector.shape_cast %get3A_153 : vector<1x16xf32> to vector<16xf32>
      %get3A_155 = arith.index_cast %scan3A_74 : i32 to index
      %get3A_156 = arith.constant 112 : index
      %get3A_157 = tpu.vector_load %arg8[%get3A_155, %get3A_156] {strides = array<i32>} : memref<128x128xf32, #tpu.memory_space<vmem>>, vector<1x16xf32>,
      %get3A_158 = vector.shape_cast %get3A_157 : vector<1x16xf32> to vector<16xf32>
      %sub3A_159 = arith.subf %get3A_154, %get3A_158 : vector<16xf32>
      %mul3A_160 = arith.mulf %sub3A_159, %sub3A_159 : vector<16xf32>
      %add3A_161 = arith.addf %add3A_150, %mul3A_160 : vector<16xf32>
      scf.yield %add3A_161 : vector<16xf32>
    }
    %scan3A_56 = arith.constant 128 : i32
    %scan3A_57 = arith.constant 0 : i32
    %scan3A_58 = arith.constant 128 : i32
    %scan3A_59 = arith.addi %scan3A_57, %scan3A_58 : i32
    %scan3A_60 = arith.constant 1 : i32
    %scan3A_61 = scf.for %scan3A_74 = %scan3A_57 to %scan3A_59 step %scan3A_60 iter_args(%scan3A_75 = %scan3A_55) -> (vector<16xf32>)  : i32 {
      %get3A = arith.index_cast %scan3A_74 : i32 to index
      %get3A_76 = arith.constant 0 : index
      %get3A_77 = tpu.vector_load %arg11[%get3A, %get3A_76] {strides = array<i32>} : memref<128x128xf32, #tpu.memory_space<vmem>>, vector<1x16xf32>,
      %get3A_78 = vector.shape_cast %get3A_77 : vector<1x16xf32> to vector<16xf32>
      %get3A_79 = arith.index_cast %scan3A_74 : i32 to index
      %get3A_80 = arith.constant 0 : index
      %get3A_81 = tpu.vector_load %arg9[%get3A_79, %get3A_80] {strides = array<i32>} : memref<128x128xf32, #tpu.memory_space<vmem>>, vector<1x16xf32>,
      %get3A_82 = vector.shape_cast %get3A_81 : vector<1x16xf32> to vector<16xf32>
      %sub3A = arith.subf %get3A_78, %get3A_82 : vector<16xf32>
      %mul3A_83 = arith.mulf %sub3A, %sub3A : vector<16xf32>
      %add3A_84 = arith.addf %scan3A_75, %mul3A_83 : vector<16xf32>
      %get3A_85 = arith.index_cast %scan3A_74 : i32 to index
      %get3A_86 = arith.constant 16 : index
      %get3A_87 = tpu.vector_load %arg11[%get3A_85, %get3A_86] {strides = array<i32>} : memref<128x128xf32, #tpu.memory_space<vmem>>, vector<1x16xf32>,
      %get3A_88 = vector.shape_cast %get3A_87 : vector<1x16xf32> to vector<16xf32>
      %get3A_89 = arith.index_cast %scan3A_74 : i32 to index
      %get3A_90 = arith.constant 16 : index
      %get3A_91 = tpu.vector_load %arg9[%get3A_89, %get3A_90] {strides = array<i32>} : memref<128x128xf32, #tpu.memory_space<vmem>>, vector<1x16xf32>,
      %get3A_92 = vector.shape_cast %get3A_91 : vector<1x16xf32> to vector<16xf32>
      %sub3A_93 = arith.subf %get3A_88, %get3A_92 : vector<16xf32>
      %mul3A_94 = arith.mulf %sub3A_93, %sub3A_93 : vector<16xf32>
      %add3A_95 = arith.addf %add3A_84, %mul3A_94 : vector<16xf32>
      %get3A_96 = arith.index_cast %scan3A_74 : i32 to index
      %get3A_97 = arith.constant 32 : index
      %get3A_98 = tpu.vector_load %arg11[%get3A_96, %get3A_97] {strides = array<i32>} : memref<128x128xf32, #tpu.memory_space<vmem>>, vector<1x16xf32>,
      %get3A_99 = vector.shape_cast %get3A_98 : vector<1x16xf32> to vector<16xf32>
      %get3A_100 = arith.index_cast %scan3A_74 : i32 to index
      %get3A_101 = arith.constant 32 : index
      %get3A_102 = tpu.vector_load %arg9[%get3A_100, %get3A_101] {strides = array<i32>} : memref<128x128xf32, #tpu.memory_space<vmem>>, vector<1x16xf32>,
      %get3A_103 = vector.shape_cast %get3A_102 : vector<1x16xf32> to vector<16xf32>
      %sub3A_104 = arith.subf %get3A_99, %get3A_103 : vector<16xf32>
      %mul3A_105 = arith.mulf %sub3A_104, %sub3A_104 : vector<16xf32>
      %add3A_106 = arith.addf %add3A_95, %mul3A_105 : vector<16xf32>
      %get3A_107 = arith.index_cast %scan3A_74 : i32 to index
      %get3A_108 = arith.constant 48 : index
      %get3A_109 = tpu.vector_load %arg11[%get3A_107, %get3A_108] {strides = array<i32>} : memref<128x128xf32, #tpu.memory_space<vmem>>, vector<1x16xf32>,
      %get3A_110 = vector.shape_cast %get3A_109 : vector<1x16xf32> to vector<16xf32>
      %get3A_111 = arith.index_cast %scan3A_74 : i32 to index
      %get3A_112 = arith.constant 48 : index
      %get3A_113 = tpu.vector_load %arg9[%get3A_111, %get3A_112] {strides = array<i32>} : memref<128x128xf32, #tpu.memory_space<vmem>>, vector<1x16xf32>,
      %get3A_114 = vector.shape_cast %get3A_113 : vector<1x16xf32> to vector<16xf32>
      %sub3A_115 = arith.subf %get3A_110, %get3A_114 : vector<16xf32>
      %mul3A_116 = arith.mulf %sub3A_115, %sub3A_115 : vector<16xf32>
      %add3A_117 = arith.addf %add3A_106, %mul3A_116 : vector<16xf32>
      %get3A_118 = arith.index_cast %scan3A_74 : i32 to index
      %get3A_119 = arith.constant 64 : index
      %get3A_120 = tpu.vector_load %arg11[%get3A_118, %get3A_119] {strides = array<i32>} : memref<128x128xf32, #tpu.memory_space<vmem>>, vector<1x16xf32>,
      %get3A_121 = vector.shape_cast %get3A_120 : vector<1x16xf32> to vector<16xf32>
      %get3A_122 = arith.index_cast %scan3A_74 : i32 to index
      %get3A_123 = arith.constant 64 : index
      %get3A_124 = tpu.vector_load %arg9[%get3A_122, %get3A_123] {strides = array<i32>} : memref<128x128xf32, #tpu.memory_space<vmem>>, vector<1x16xf32>,
      %get3A_125 = vector.shape_cast %get3A_124 : vector<1x16xf32> to vector<16xf32>
      %sub3A_126 = arith.subf %get3A_121, %get3A_125 : vector<16xf32>
      %mul3A_127 = arith.mulf %sub3A_126, %sub3A_126 : vector<16xf32>
      %add3A_128 = arith.addf %add3A_117, %mul3A_127 : vector<16xf32>
      %get3A_129 = arith.index_cast %scan3A_74 : i32 to index
      %get3A_130 = arith.constant 80 : index
      %get3A_131 = tpu.vector_load %arg11[%get3A_129, %get3A_130] {strides = array<i32>} : memref<128x128xf32, #tpu.memory_space<vmem>>, vector<1x16xf32>,
      %get3A_132 = vector.shape_cast %get3A_131 : vector<1x16xf32> to vector<16xf32>
      %get3A_133 = arith.index_cast %scan3A_74 : i32 to index
      %get3A_134 = arith.constant 80 : index
      %get3A_135 = tpu.vector_load %arg9[%get3A_133, %get3A_134] {strides = array<i32>} : memref<128x128xf32, #tpu.memory_space<vmem>>, vector<1x16xf32>,
      %get3A_136 = vector.shape_cast %get3A_135 : vector<1x16xf32> to vector<16xf32>
      %sub3A_137 = arith.subf %get3A_132, %get3A_136 : vector<16xf32>
      %mul3A_138 = arith.mulf %sub3A_137, %sub3A_137 : vector<16xf32>
      %add3A_139 = arith.addf %add3A_128, %mul3A_138 : vector<16xf32>
      %get3A_140 = arith.index_cast %scan3A_74 : i32 to index
      %get3A_141 = arith.constant 96 : index
      %get3A_142 = tpu.vector_load %arg11[%get3A_140, %get3A_141] {strides = array<i32>} : memref<128x128xf32, #tpu.memory_space<vmem>>, vector<1x16xf32>,
      %get3A_143 = vector.shape_cast %get3A_142 : vector<1x16xf32> to vector<16xf32>
      %get3A_144 = arith.index_cast %scan3A_74 : i32 to index
      %get3A_145 = arith.constant 96 : index
      %get3A_146 = tpu.vector_load %arg9[%get3A_144, %get3A_145] {strides = array<i32>} : memref<128x128xf32, #tpu.memory_space<vmem>>, vector<1x16xf32>,
      %get3A_147 = vector.shape_cast %get3A_146 : vector<1x16xf32> to vector<16xf32>
      %sub3A_148 = arith.subf %get3A_143, %get3A_147 : vector<16xf32>
      %mul3A_149 = arith.mulf %sub3A_148, %sub3A_148 : vector<16xf32>
      %add3A_150 = arith.addf %add3A_139, %mul3A_149 : vector<16xf32>
      %get3A_151 = arith.index_cast %scan3A_74 : i32 to index
      %get3A_152 = arith.constant 112 : index
      %get3A_153 = tpu.vector_load %arg11[%get3A_151, %get3A_152] {strides = array<i32>} : memref<128x128xf32, #tpu.memory_space<vmem>>, vector<1x16xf32>,
      %get3A_154 = vector.shape_cast %get3A_153 : vector<1x16xf32> to vector<16xf32>
      %get3A_155 = arith.index_cast %scan3A_74 : i32 to index
      %get3A_156 = arith.constant 112 : index
      %get3A_157 = tpu.vector_load %arg9[%get3A_155, %get3A_156] {strides = array<i32>} : memref<128x128xf32, #tpu.memory_space<vmem>>, vector<1x16xf32>,
      %get3A_158 = vector.shape_cast %get3A_157 : vector<1x16xf32> to vector<16xf32>
      %sub3A_159 = arith.subf %get3A_154, %get3A_158 : vector<16xf32>
      %mul3A_160 = arith.mulf %sub3A_159, %sub3A_159 : vector<16xf32>
      %add3A_161 = arith.addf %add3A_150, %mul3A_160 : vector<16xf32>
      scf.yield %add3A_161 : vector<16xf32>
    }
    %scan3A_62 = arith.constant 128 : i32
    %swap3A = arith.constant 0 : index
    %swap3A_63 = tpu.vector_load %arg12[%swap3A] {strides = array<i32>} : memref<16xf32, #tpu.memory_space<vmem>>, vector<16xf32>,
    %swap3A_64 = vector.shape_cast %swap3A_63 : vector<16xf32> to vector<16xf32>
    %swap3A_65 = vector.shape_cast %scan3A_61 : vector<16xf32> to vector<16xf32>
    tpu.vector_store %arg12[%swap3A], %swap3A_65 {strides = array<i32>} : memref<16xf32, #tpu.memory_space<vmem>>, vector<16xf32>,
    %dma_wait3A_66 = arith.constant 0 : i32
    %dma_wait3A_67 = tpu.memref_slice %arg4[%mul3A_2, %dma_wait3A_66] : memref<8192x128xf32, #tpu.memory_space<hbm>> -> memref<128x128xf32, #tpu.memory_space<hbm>>
    %dma_wait3A_68 = arith.constant 0 : i32
    %dma_wait3A_69 = tpu.memref_slice %arg4[%mul3A_2, %dma_wait3A_68] : memref<8192x128xf32, #tpu.memory_space<hbm>> -> memref<128x128xf32, #tpu.memory_space<hbm>>
    tpu.wait_dma2 semaphore(%arg16 : memref<!tpu.dma_semaphore, #tpu.memory_space<semaphore_mem>>) src(%arg8 : memref<128x128xf32, #tpu.memory_space<vmem>>) dst(%dma_wait3A_69 : memref<128x128xf32, #tpu.memory_space<hbm>>)
    %dma_wait3A_70 = arith.constant 0 : i32
    %dma_wait3A_71 = tpu.memref_slice %arg4[%add3A_46, %dma_wait3A_70] : memref<8192x128xf32, #tpu.memory_space<hbm>> -> memref<128x128xf32, #tpu.memory_space<hbm>>
    %dma_wait3A_72 = arith.constant 0 : i32
    %dma_wait3A_73 = tpu.memref_slice %arg4[%add3A_46, %dma_wait3A_72] : memref<8192x128xf32, #tpu.memory_space<hbm>> -> memref<128x128xf32, #tpu.memory_space<hbm>>
    tpu.wait_dma2 semaphore(%arg16 : memref<!tpu.dma_semaphore, #tpu.memory_space<semaphore_mem>>) src(%arg9 : memref<128x128xf32, #tpu.memory_space<vmem>>) dst(%dma_wait3A_73 : memref<128x128xf32, #tpu.memory_space<hbm>>)
    "tpu.region"() ({
      %run_scoped3A = tpu.sem_alloc : memref<!tpu.dma_semaphore, #tpu.memory_space<semaphore_mem>>
      %dma_start3A_74 = arith.constant 0 : i32
      %dma_start3A_75 = tpu.memref_slice %arg5[%add3A, %dma_start3A_74] : memref<32x16xf32, #tpu.memory_space<hbm>> -> memref<1x16xf32, #tpu.memory_space<hbm>>
      %dma_start3A_76 = tpu.memref_squeeze %dma_start3A_75 : memref<1x16xf32, #tpu.memory_space<hbm>> -> memref<16xf32, #tpu.memory_space<hbm>>
      %dma_start3A_77 = arith.constant 0 : i32
      %dma_start3A_78 = tpu.memref_slice %arg5[%add3A, %dma_start3A_77] : memref<32x16xf32, #tpu.memory_space<hbm>> -> memref<1x16xf32, #tpu.memory_space<hbm>>
      %dma_start3A_79 = tpu.memref_squeeze %dma_start3A_78 : memref<1x16xf32, #tpu.memory_space<hbm>> -> memref<16xf32, #tpu.memory_space<hbm>>
      tpu.enqueue_dma source(%arg12 : memref<16xf32, #tpu.memory_space<vmem>>) target(%dma_start3A_79 : memref<16xf32, #tpu.memory_space<hbm>>) target_semaphore(%run_scoped3A : memref<!tpu.dma_semaphore, #tpu.memory_space<semaphore_mem>>)
      %dma_wait3A_80 = arith.constant 0 : i32
      %dma_wait3A_81 = tpu.memref_slice %arg5[%add3A, %dma_wait3A_80] : memref<32x16xf32, #tpu.memory_space<hbm>> -> memref<1x16xf32, #tpu.memory_space<hbm>>
      %dma_wait3A_82 = tpu.memref_squeeze %dma_wait3A_81 : memref<1x16xf32, #tpu.memory_space<hbm>> -> memref<16xf32, #tpu.memory_space<hbm>>
      %dma_wait3A_83 = arith.constant 0 : i32
      %dma_wait3A_84 = tpu.memref_slice %arg5[%add3A, %dma_wait3A_83] : memref<32x16xf32, #tpu.memory_space<hbm>> -> memref<1x16xf32, #tpu.memory_space<hbm>>
      %dma_wait3A_85 = tpu.memref_squeeze %dma_wait3A_84 : memref<1x16xf32, #tpu.memory_space<hbm>> -> memref<16xf32, #tpu.memory_space<hbm>>
      tpu.wait_dma2 semaphore(%run_scoped3A : memref<!tpu.dma_semaphore, #tpu.memory_space<semaphore_mem>>) src(%arg12 : memref<16xf32, #tpu.memory_space<vmem>>) dst(%dma_wait3A_85 : memref<16xf32, #tpu.memory_space<hbm>>)
      tpu.yield
    }) : () -> ()
    return
  }
}

module attributes {stable_mosaic.version = 14 : i64} {
  func.func @_tc_body(%arg0: i32, %arg1: memref<512x64xf32, #tpu.memory_space<vmem>>, %arg2: memref<64x8192xf32, #tpu.memory_space<vmem>>, %arg3: memref<512x8192xf32, #tpu.memory_space<vmem>>, %arg4: memref<512x128xf32, #tpu.memory_space<vmem>>, %arg5: memref<1x1x512xi32, #tpu.memory_space<vmem>>, %arg6: memref<1x1xf32, #tpu.memory_space<vmem>>, %arg7: memref<64x8192xf32, #tpu.memory_space<vmem>>, %arg8: memref<1x8192xf32, #tpu.memory_space<vmem>>) attributes {dimension_semantics = [#tpu.dimension_semantics<arbitrary>], iteration_bounds = array<i64: 16>, scalar_prefetch = 0 : i64, scratch_operands = 2 : i64, tpu.core_type = #tpu.core_type<tc>, window_params = [{transform_indices = @transform_0, window_bounds = array<i64: 512, 64>}, {pipeline_mode = #tpu.pipeline_mode<synchronous>, transform_indices = @transform_1, window_bounds = array<i64: 64, 8192>}, {transform_indices = @transform_2, window_bounds = array<i64: 512, 8192>}, {transform_indices = @transform_3, window_bounds = array<i64: 512, 128>}, {transform_indices = @transform_4, window_bounds = array<i64: 1, 1, 512>}, {pipeline_mode = #tpu.pipeline_mode<synchronous>, transform_indices = @transform_5, window_bounds = array<i64: 1, 1>}]} {
    %eq3A = arith.constant 0 : i32
    %eq3A_0 = arith.cmpi eq, %arg0, %eq3A : i32
    %convert_element_type3A = arith.extui %eq3A_0 : i1 to i32
    %cond3A = arith.constant 0 : i32
    %cond3A_1 = arith.cmpi ne, %convert_element_type3A, %cond3A : i32
    scf.if %cond3A_1 {
      %get3A_431 = arith.constant 0 : index
      %get3A_432 = arith.constant 0 : index
      %get3A_433 = vector.load %arg2[%get3A_431, %get3A_432] : memref<64x8192xf32, #tpu.memory_space<vmem>>, vector<64x8192xf32>
      %mul3A_434 = arith.mulf %get3A_433, %get3A_433 : vector<64x8192xf32>
      %reduce_sum3A_435 = arith.constant dense<0.000000e+00> : vector<8192xf32>
      %reduce_sum3A_436 = vector.multi_reduction <add>, %mul3A_434, %reduce_sum3A_435 [0] : vector<64x8192xf32> to vector<8192xf32>
      %broadcast_in_dim3A_437 = vector.shape_cast %reduce_sum3A_436 : vector<8192xf32> to vector<1x8192xf32>
      %sqrt3A_438 = math.sqrt %broadcast_in_dim3A_437 : vector<1x8192xf32>
      %max3A_439 = arith.constant 9.99999996E-13 : f32
      %max3A_440 = vector.broadcast %max3A_439 : f32 to vector<1x8192xf32>
      %max3A_441 = arith.maximumf %sqrt3A_438, %max3A_440 : vector<1x8192xf32>
      %div3A_442 = vector.broadcast %max3A_441 : vector<1x8192xf32> to vector<64x8192xf32>
      %div3A_443 = arith.divf %get3A_433, %div3A_442 : vector<64x8192xf32>
      %swap3A_444 = arith.constant 0 : index
      %swap3A_445 = arith.constant 0 : index
      %swap3A_446 = vector.load %arg7[%swap3A_444, %swap3A_445] : memref<64x8192xf32, #tpu.memory_space<vmem>>, vector<64x8192xf32>
      tpu.vector_store %arg7[%swap3A_444, %swap3A_445], %div3A_443 {strides = array<i32>} : memref<64x8192xf32, #tpu.memory_space<vmem>>, vector<64x8192xf32>,
      %mul3A_447 = arith.mulf %div3A_443, %div3A_443 : vector<64x8192xf32>
      %reduce_sum3A_448 = arith.constant dense<0.000000e+00> : vector<8192xf32>
      %reduce_sum3A_449 = vector.multi_reduction <add>, %mul3A_447, %reduce_sum3A_448 [0] : vector<64x8192xf32> to vector<8192xf32>
      %broadcast_in_dim3A_450 = vector.shape_cast %reduce_sum3A_449 : vector<8192xf32> to vector<1x8192xf32>
      %swap3A_451 = arith.constant 0 : index
      %swap3A_452 = arith.constant 0 : index
      %swap3A_453 = vector.load %arg8[%swap3A_451, %swap3A_452] : memref<1x8192xf32, #tpu.memory_space<vmem>>, vector<1x8192xf32>
      tpu.vector_store %arg8[%swap3A_451, %swap3A_452], %broadcast_in_dim3A_450 {strides = array<i32>} : memref<1x8192xf32, #tpu.memory_space<vmem>>, vector<1x8192xf32>,
      %abs3A = math.absf %get3A_433 : vector<64x8192xf32>
      %reduce_sum3A_454 = vector.shape_cast %abs3A : vector<64x8192xf32> to vector<1x64x8192xf32>
      %reduce_sum3A_455 = arith.constant dense<0.000000e+00> : vector<1xf32>
      %reduce_sum3A_456 = vector.multi_reduction <add>, %reduce_sum3A_454, %reduce_sum3A_455 [1, 2] : vector<1x64x8192xf32> to vector<1xf32>
      %reduce_sum3A_457 = vector.shape_cast %reduce_sum3A_456 : vector<1xf32> to vector<1x1x1xf32>
      %reduce_sum3A_458 = vector.extract %reduce_sum3A_457[0, 0, 0] : f32 from vector<1x1x1xf32>
      %reshape3A = vector.broadcast %reduce_sum3A_458 : f32 to vector<1x1xf32>
      %swap3A_459 = arith.constant 0 : index
      %swap3A_460 = arith.constant 0 : index
      %swap3A_461 = vector.load %arg6[%swap3A_459, %swap3A_460] : memref<1x1xf32, #tpu.memory_space<vmem>>, vector<1x1xf32>
      tpu.vector_store %arg6[%swap3A_459, %swap3A_460], %reshape3A {strides = array<i32>} : memref<1x1xf32, #tpu.memory_space<vmem>>, vector<1x1xf32>,
    } else {
    }
    %get3A = arith.constant 0 : index
    %get3A_2 = arith.constant 0 : index
    %get3A_3 = vector.load %arg1[%get3A, %get3A_2] : memref<512x64xf32, #tpu.memory_space<vmem>>, vector<512x64xf32>
    %mul3A = arith.mulf %get3A_3, %get3A_3 : vector<512x64xf32>
    %reduce_sum3A = arith.constant dense<0.000000e+00> : vector<512xf32>
    %reduce_sum3A_4 = vector.multi_reduction <add>, %mul3A, %reduce_sum3A [1] : vector<512x64xf32> to vector<512xf32>
    %broadcast_in_dim3A = vector.shape_cast %reduce_sum3A_4 : vector<512xf32> to vector<512x1xf32>
    %sqrt3A = math.sqrt %broadcast_in_dim3A : vector<512x1xf32>
    %max3A = arith.constant 9.99999996E-13 : f32
    %max3A_5 = vector.broadcast %max3A : f32 to vector<512x1xf32>
    %max3A_6 = arith.maximumf %sqrt3A, %max3A_5 : vector<512x1xf32>
    %div3A = vector.broadcast %max3A_6 : vector<512x1xf32> to vector<512x64xf32>
    %div3A_7 = arith.divf %get3A_3, %div3A : vector<512x64xf32>
    %broadcast_in_dim3A_8 = arith.constant 0.000000e+00 : f32
    %broadcast_in_dim3A_9 = vector.broadcast %broadcast_in_dim3A_8 : f32 to vector<512x64xf32>
    %concatenate3A = tpu.concatenate %div3A_7, %broadcast_in_dim3A_9 in 1 : vector<512x64xf32>, vector<512x64xf32> -> vector<512x128xf32>
    %swap3A = arith.constant 0 : index
    %swap3A_10 = arith.constant 0 : index
    %swap3A_11 = vector.load %arg4[%swap3A, %swap3A_10] : memref<512x128xf32, #tpu.memory_space<vmem>>, vector<512x128xf32>
    tpu.vector_store %arg4[%swap3A, %swap3A_10], %concatenate3A {strides = array<i32>} : memref<512x128xf32, #tpu.memory_space<vmem>>, vector<512x128xf32>,
    %add3A = arith.addf %div3A_7, %div3A_7 : vector<512x64xf32>
    %get3A_12 = arith.constant 0 : index
    %get3A_13 = arith.constant 0 : index
    %get3A_14 = vector.load %arg7[%get3A_12, %get3A_13] : memref<64x8192xf32, #tpu.memory_space<vmem>>, vector<64x8192xf32>
    %dot_general3A = arith.constant dense<0.000000e+00> : vector<512x8192xf32>
    %dot_general3A_15 = tpu.matmul %add3A, %get3A_14, %dot_general3A {dimension_numbers = #tpu.dot_dimension_numbers<[1], [0], [0], [1], [0, 0, 1, 1], [], []>, transpose_lhs_hint = false} : vector<512x64xf32>, vector<64x8192xf32>, vector<512x8192xf32> -> vector<512x8192xf32>
    %mul3A_16 = arith.mulf %div3A_7, %div3A_7 : vector<512x64xf32>
    %reduce_sum3A_17 = arith.constant dense<0.000000e+00> : vector<512xf32>
    %reduce_sum3A_18 = vector.multi_reduction <add>, %mul3A_16, %reduce_sum3A_17 [1] : vector<512x64xf32> to vector<512xf32>
    %broadcast_in_dim3A_19 = vector.shape_cast %reduce_sum3A_18 : vector<512xf32> to vector<512x1xf32>
    %get3A_20 = arith.constant 0 : index
    %get3A_21 = arith.constant 0 : index
    %get3A_22 = vector.load %arg8[%get3A_20, %get3A_21] : memref<1x8192xf32, #tpu.memory_space<vmem>>, vector<1x8192xf32>
    %add3A_23 = vector.broadcast %broadcast_in_dim3A_19 : vector<512x1xf32> to vector<512x8192xf32>
    %add3A_24 = vector.broadcast %get3A_22 : vector<1x8192xf32> to vector<512x8192xf32>
    %add3A_25 = arith.addf %add3A_23, %add3A_24 : vector<512x8192xf32>
    %sub3A = arith.subf %add3A_25, %dot_general3A_15 : vector<512x8192xf32>
    %slice3A = vector.extract_strided_slice %sub3A {offsets = [0, 0], sizes = [512, 128], strides = [1, 1]} : vector<512x8192xf32> to vector<512x128xf32>
    %slice3A_26 = vector.extract_strided_slice %sub3A {offsets = [0, 128], sizes = [512, 128], strides = [1, 1]} : vector<512x8192xf32> to vector<512x128xf32>
    %slice3A_27 = vector.extract_strided_slice %sub3A {offsets = [0, 256], sizes = [512, 128], strides = [1, 1]} : vector<512x8192xf32> to vector<512x128xf32>
    %slice3A_28 = vector.extract_strided_slice %sub3A {offsets = [0, 384], sizes = [512, 128], strides = [1, 1]} : vector<512x8192xf32> to vector<512x128xf32>
    %slice3A_29 = vector.extract_strided_slice %sub3A {offsets = [0, 512], sizes = [512, 128], strides = [1, 1]} : vector<512x8192xf32> to vector<512x128xf32>
    %slice3A_30 = vector.extract_strided_slice %sub3A {offsets = [0, 640], sizes = [512, 128], strides = [1, 1]} : vector<512x8192xf32> to vector<512x128xf32>
    %slice3A_31 = vector.extract_strided_slice %sub3A {offsets = [0, 768], sizes = [512, 128], strides = [1, 1]} : vector<512x8192xf32> to vector<512x128xf32>
    %slice3A_32 = vector.extract_strided_slice %sub3A {offsets = [0, 896], sizes = [512, 128], strides = [1, 1]} : vector<512x8192xf32> to vector<512x128xf32>
    %slice3A_33 = vector.extract_strided_slice %sub3A {offsets = [0, 1024], sizes = [512, 128], strides = [1, 1]} : vector<512x8192xf32> to vector<512x128xf32>
    %slice3A_34 = vector.extract_strided_slice %sub3A {offsets = [0, 1152], sizes = [512, 128], strides = [1, 1]} : vector<512x8192xf32> to vector<512x128xf32>
    %slice3A_35 = vector.extract_strided_slice %sub3A {offsets = [0, 1280], sizes = [512, 128], strides = [1, 1]} : vector<512x8192xf32> to vector<512x128xf32>
    %slice3A_36 = vector.extract_strided_slice %sub3A {offsets = [0, 1408], sizes = [512, 128], strides = [1, 1]} : vector<512x8192xf32> to vector<512x128xf32>
    %slice3A_37 = vector.extract_strided_slice %sub3A {offsets = [0, 1536], sizes = [512, 128], strides = [1, 1]} : vector<512x8192xf32> to vector<512x128xf32>
    %slice3A_38 = vector.extract_strided_slice %sub3A {offsets = [0, 1664], sizes = [512, 128], strides = [1, 1]} : vector<512x8192xf32> to vector<512x128xf32>
    %slice3A_39 = vector.extract_strided_slice %sub3A {offsets = [0, 1792], sizes = [512, 128], strides = [1, 1]} : vector<512x8192xf32> to vector<512x128xf32>
    %slice3A_40 = vector.extract_strided_slice %sub3A {offsets = [0, 1920], sizes = [512, 128], strides = [1, 1]} : vector<512x8192xf32> to vector<512x128xf32>
    %slice3A_41 = vector.extract_strided_slice %sub3A {offsets = [0, 2048], sizes = [512, 128], strides = [1, 1]} : vector<512x8192xf32> to vector<512x128xf32>
    %slice3A_42 = vector.extract_strided_slice %sub3A {offsets = [0, 2176], sizes = [512, 128], strides = [1, 1]} : vector<512x8192xf32> to vector<512x128xf32>
    %slice3A_43 = vector.extract_strided_slice %sub3A {offsets = [0, 2304], sizes = [512, 128], strides = [1, 1]} : vector<512x8192xf32> to vector<512x128xf32>
    %slice3A_44 = vector.extract_strided_slice %sub3A {offsets = [0, 2432], sizes = [512, 128], strides = [1, 1]} : vector<512x8192xf32> to vector<512x128xf32>
    %slice3A_45 = vector.extract_strided_slice %sub3A {offsets = [0, 2560], sizes = [512, 128], strides = [1, 1]} : vector<512x8192xf32> to vector<512x128xf32>
    %slice3A_46 = vector.extract_strided_slice %sub3A {offsets = [0, 2688], sizes = [512, 128], strides = [1, 1]} : vector<512x8192xf32> to vector<512x128xf32>
    %slice3A_47 = vector.extract_strided_slice %sub3A {offsets = [0, 2816], sizes = [512, 128], strides = [1, 1]} : vector<512x8192xf32> to vector<512x128xf32>
    %slice3A_48 = vector.extract_strided_slice %sub3A {offsets = [0, 2944], sizes = [512, 128], strides = [1, 1]} : vector<512x8192xf32> to vector<512x128xf32>
    %slice3A_49 = vector.extract_strided_slice %sub3A {offsets = [0, 3072], sizes = [512, 128], strides = [1, 1]} : vector<512x8192xf32> to vector<512x128xf32>
    %slice3A_50 = vector.extract_strided_slice %sub3A {offsets = [0, 3200], sizes = [512, 128], strides = [1, 1]} : vector<512x8192xf32> to vector<512x128xf32>
    %slice3A_51 = vector.extract_strided_slice %sub3A {offsets = [0, 3328], sizes = [512, 128], strides = [1, 1]} : vector<512x8192xf32> to vector<512x128xf32>
    %slice3A_52 = vector.extract_strided_slice %sub3A {offsets = [0, 3456], sizes = [512, 128], strides = [1, 1]} : vector<512x8192xf32> to vector<512x128xf32>
    %slice3A_53 = vector.extract_strided_slice %sub3A {offsets = [0, 3584], sizes = [512, 128], strides = [1, 1]} : vector<512x8192xf32> to vector<512x128xf32>
    %slice3A_54 = vector.extract_strided_slice %sub3A {offsets = [0, 3712], sizes = [512, 128], strides = [1, 1]} : vector<512x8192xf32> to vector<512x128xf32>
    %slice3A_55 = vector.extract_strided_slice %sub3A {offsets = [0, 3840], sizes = [512, 128], strides = [1, 1]} : vector<512x8192xf32> to vector<512x128xf32>
    %slice3A_56 = vector.extract_strided_slice %sub3A {offsets = [0, 3968], sizes = [512, 128], strides = [1, 1]} : vector<512x8192xf32> to vector<512x128xf32>
    %slice3A_57 = vector.extract_strided_slice %sub3A {offsets = [0, 4096], sizes = [512, 128], strides = [1, 1]} : vector<512x8192xf32> to vector<512x128xf32>
    %slice3A_58 = vector.extract_strided_slice %sub3A {offsets = [0, 4224], sizes = [512, 128], strides = [1, 1]} : vector<512x8192xf32> to vector<512x128xf32>
    %slice3A_59 = vector.extract_strided_slice %sub3A {offsets = [0, 4352], sizes = [512, 128], strides = [1, 1]} : vector<512x8192xf32> to vector<512x128xf32>
    %slice3A_60 = vector.extract_strided_slice %sub3A {offsets = [0, 4480], sizes = [512, 128], strides = [1, 1]} : vector<512x8192xf32> to vector<512x128xf32>
    %slice3A_61 = vector.extract_strided_slice %sub3A {offsets = [0, 4608], sizes = [512, 128], strides = [1, 1]} : vector<512x8192xf32> to vector<512x128xf32>
    %slice3A_62 = vector.extract_strided_slice %sub3A {offsets = [0, 4736], sizes = [512, 128], strides = [1, 1]} : vector<512x8192xf32> to vector<512x128xf32>
    %slice3A_63 = vector.extract_strided_slice %sub3A {offsets = [0, 4864], sizes = [512, 128], strides = [1, 1]} : vector<512x8192xf32> to vector<512x128xf32>
    %slice3A_64 = vector.extract_strided_slice %sub3A {offsets = [0, 4992], sizes = [512, 128], strides = [1, 1]} : vector<512x8192xf32> to vector<512x128xf32>
    %slice3A_65 = vector.extract_strided_slice %sub3A {offsets = [0, 5120], sizes = [512, 128], strides = [1, 1]} : vector<512x8192xf32> to vector<512x128xf32>
    %slice3A_66 = vector.extract_strided_slice %sub3A {offsets = [0, 5248], sizes = [512, 128], strides = [1, 1]} : vector<512x8192xf32> to vector<512x128xf32>
    %slice3A_67 = vector.extract_strided_slice %sub3A {offsets = [0, 5376], sizes = [512, 128], strides = [1, 1]} : vector<512x8192xf32> to vector<512x128xf32>
    %slice3A_68 = vector.extract_strided_slice %sub3A {offsets = [0, 5504], sizes = [512, 128], strides = [1, 1]} : vector<512x8192xf32> to vector<512x128xf32>
    %slice3A_69 = vector.extract_strided_slice %sub3A {offsets = [0, 5632], sizes = [512, 128], strides = [1, 1]} : vector<512x8192xf32> to vector<512x128xf32>
    %slice3A_70 = vector.extract_strided_slice %sub3A {offsets = [0, 5760], sizes = [512, 128], strides = [1, 1]} : vector<512x8192xf32> to vector<512x128xf32>
    %slice3A_71 = vector.extract_strided_slice %sub3A {offsets = [0, 5888], sizes = [512, 128], strides = [1, 1]} : vector<512x8192xf32> to vector<512x128xf32>
    %slice3A_72 = vector.extract_strided_slice %sub3A {offsets = [0, 6016], sizes = [512, 128], strides = [1, 1]} : vector<512x8192xf32> to vector<512x128xf32>
    %slice3A_73 = vector.extract_strided_slice %sub3A {offsets = [0, 6144], sizes = [512, 128], strides = [1, 1]} : vector<512x8192xf32> to vector<512x128xf32>
    %slice3A_74 = vector.extract_strided_slice %sub3A {offsets = [0, 6272], sizes = [512, 128], strides = [1, 1]} : vector<512x8192xf32> to vector<512x128xf32>
    %slice3A_75 = vector.extract_strided_slice %sub3A {offsets = [0, 6400], sizes = [512, 128], strides = [1, 1]} : vector<512x8192xf32> to vector<512x128xf32>
    %slice3A_76 = vector.extract_strided_slice %sub3A {offsets = [0, 6528], sizes = [512, 128], strides = [1, 1]} : vector<512x8192xf32> to vector<512x128xf32>
    %slice3A_77 = vector.extract_strided_slice %sub3A {offsets = [0, 6656], sizes = [512, 128], strides = [1, 1]} : vector<512x8192xf32> to vector<512x128xf32>
    %slice3A_78 = vector.extract_strided_slice %sub3A {offsets = [0, 6784], sizes = [512, 128], strides = [1, 1]} : vector<512x8192xf32> to vector<512x128xf32>
    %slice3A_79 = vector.extract_strided_slice %sub3A {offsets = [0, 6912], sizes = [512, 128], strides = [1, 1]} : vector<512x8192xf32> to vector<512x128xf32>
    %slice3A_80 = vector.extract_strided_slice %sub3A {offsets = [0, 7040], sizes = [512, 128], strides = [1, 1]} : vector<512x8192xf32> to vector<512x128xf32>
    %slice3A_81 = vector.extract_strided_slice %sub3A {offsets = [0, 7168], sizes = [512, 128], strides = [1, 1]} : vector<512x8192xf32> to vector<512x128xf32>
    %slice3A_82 = vector.extract_strided_slice %sub3A {offsets = [0, 7296], sizes = [512, 128], strides = [1, 1]} : vector<512x8192xf32> to vector<512x128xf32>
    %slice3A_83 = vector.extract_strided_slice %sub3A {offsets = [0, 7424], sizes = [512, 128], strides = [1, 1]} : vector<512x8192xf32> to vector<512x128xf32>
    %slice3A_84 = vector.extract_strided_slice %sub3A {offsets = [0, 7552], sizes = [512, 128], strides = [1, 1]} : vector<512x8192xf32> to vector<512x128xf32>
    %slice3A_85 = vector.extract_strided_slice %sub3A {offsets = [0, 7680], sizes = [512, 128], strides = [1, 1]} : vector<512x8192xf32> to vector<512x128xf32>
    %slice3A_86 = vector.extract_strided_slice %sub3A {offsets = [0, 7808], sizes = [512, 128], strides = [1, 1]} : vector<512x8192xf32> to vector<512x128xf32>
    %slice3A_87 = vector.extract_strided_slice %sub3A {offsets = [0, 7936], sizes = [512, 128], strides = [1, 1]} : vector<512x8192xf32> to vector<512x128xf32>
    %slice3A_88 = vector.extract_strided_slice %sub3A {offsets = [0, 8064], sizes = [512, 128], strides = [1, 1]} : vector<512x8192xf32> to vector<512x128xf32>
    %lt3A = arith.cmpf olt, %slice3A_26, %slice3A : vector<512x128xf32>
    %min3A = arith.minimumf %slice3A, %slice3A_26 : vector<512x128xf32>
    %jit3A = arith.constant 1 : i32
    %jit3A_89 = arith.constant 0 : i32
    %broadcast_in_dim3A_90 = vector.broadcast %jit3A : i32 to vector<512x128xi32>
    %broadcast_in_dim3A_91 = vector.broadcast %jit3A_89 : i32 to vector<512x128xi32>
    %select_n3A = arith.select %lt3A, %broadcast_in_dim3A_90, %broadcast_in_dim3A_91 : vector<512x128xi1>, vector<512x128xi32>
    %lt3A_92 = arith.cmpf olt, %slice3A_28, %slice3A_27 : vector<512x128xf32>
    %min3A_93 = arith.minimumf %slice3A_27, %slice3A_28 : vector<512x128xf32>
    %jit3A_94 = arith.constant 3 : i32
    %jit3A_95 = arith.constant 2 : i32
    %broadcast_in_dim3A_96 = vector.broadcast %jit3A_94 : i32 to vector<512x128xi32>
    %broadcast_in_dim3A_97 = vector.broadcast %jit3A_95 : i32 to vector<512x128xi32>
    %select_n3A_98 = arith.select %lt3A_92, %broadcast_in_dim3A_96, %broadcast_in_dim3A_97 : vector<512x128xi1>, vector<512x128xi32>
    %lt3A_99 = arith.cmpf olt, %slice3A_30, %slice3A_29 : vector<512x128xf32>
    %min3A_100 = arith.minimumf %slice3A_29, %slice3A_30 : vector<512x128xf32>
    %jit3A_101 = arith.constant 5 : i32
    %jit3A_102 = arith.constant 4 : i32
    %broadcast_in_dim3A_103 = vector.broadcast %jit3A_101 : i32 to vector<512x128xi32>
    %broadcast_in_dim3A_104 = vector.broadcast %jit3A_102 : i32 to vector<512x128xi32>
    %select_n3A_105 = arith.select %lt3A_99, %broadcast_in_dim3A_103, %broadcast_in_dim3A_104 : vector<512x128xi1>, vector<512x128xi32>
    %lt3A_106 = arith.cmpf olt, %slice3A_32, %slice3A_31 : vector<512x128xf32>
    %min3A_107 = arith.minimumf %slice3A_31, %slice3A_32 : vector<512x128xf32>
    %jit3A_108 = arith.constant 7 : i32
    %jit3A_109 = arith.constant 6 : i32
    %broadcast_in_dim3A_110 = vector.broadcast %jit3A_108 : i32 to vector<512x128xi32>
    %broadcast_in_dim3A_111 = vector.broadcast %jit3A_109 : i32 to vector<512x128xi32>
    %select_n3A_112 = arith.select %lt3A_106, %broadcast_in_dim3A_110, %broadcast_in_dim3A_111 : vector<512x128xi1>, vector<512x128xi32>
    %lt3A_113 = arith.cmpf olt, %slice3A_34, %slice3A_33 : vector<512x128xf32>
    %min3A_114 = arith.minimumf %slice3A_33, %slice3A_34 : vector<512x128xf32>
    %jit3A_115 = arith.constant 9 : i32
    %jit3A_116 = arith.constant 8 : i32
    %broadcast_in_dim3A_117 = vector.broadcast %jit3A_115 : i32 to vector<512x128xi32>
    %broadcast_in_dim3A_118 = vector.broadcast %jit3A_116 : i32 to vector<512x128xi32>
    %select_n3A_119 = arith.select %lt3A_113, %broadcast_in_dim3A_117, %broadcast_in_dim3A_118 : vector<512x128xi1>, vector<512x128xi32>
    %lt3A_120 = arith.cmpf olt, %slice3A_36, %slice3A_35 : vector<512x128xf32>
    %min3A_121 = arith.minimumf %slice3A_35, %slice3A_36 : vector<512x128xf32>
    %jit3A_122 = arith.constant 11 : i32
    %jit3A_123 = arith.constant 10 : i32
    %broadcast_in_dim3A_124 = vector.broadcast %jit3A_122 : i32 to vector<512x128xi32>
    %broadcast_in_dim3A_125 = vector.broadcast %jit3A_123 : i32 to vector<512x128xi32>
    %select_n3A_126 = arith.select %lt3A_120, %broadcast_in_dim3A_124, %broadcast_in_dim3A_125 : vector<512x128xi1>, vector<512x128xi32>
    %lt3A_127 = arith.cmpf olt, %slice3A_38, %slice3A_37 : vector<512x128xf32>
    %min3A_128 = arith.minimumf %slice3A_37, %slice3A_38 : vector<512x128xf32>
    %jit3A_129 = arith.constant 13 : i32
    %jit3A_130 = arith.constant 12 : i32
    %broadcast_in_dim3A_131 = vector.broadcast %jit3A_129 : i32 to vector<512x128xi32>
    %broadcast_in_dim3A_132 = vector.broadcast %jit3A_130 : i32 to vector<512x128xi32>
    %select_n3A_133 = arith.select %lt3A_127, %broadcast_in_dim3A_131, %broadcast_in_dim3A_132 : vector<512x128xi1>, vector<512x128xi32>
    %lt3A_134 = arith.cmpf olt, %slice3A_40, %slice3A_39 : vector<512x128xf32>
    %min3A_135 = arith.minimumf %slice3A_39, %slice3A_40 : vector<512x128xf32>
    %jit3A_136 = arith.constant 15 : i32
    %jit3A_137 = arith.constant 14 : i32
    %broadcast_in_dim3A_138 = vector.broadcast %jit3A_136 : i32 to vector<512x128xi32>
    %broadcast_in_dim3A_139 = vector.broadcast %jit3A_137 : i32 to vector<512x128xi32>
    %select_n3A_140 = arith.select %lt3A_134, %broadcast_in_dim3A_138, %broadcast_in_dim3A_139 : vector<512x128xi1>, vector<512x128xi32>
    %lt3A_141 = arith.cmpf olt, %slice3A_42, %slice3A_41 : vector<512x128xf32>
    %min3A_142 = arith.minimumf %slice3A_41, %slice3A_42 : vector<512x128xf32>
    %jit3A_143 = arith.constant 17 : i32
    %jit3A_144 = arith.constant 16 : i32
    %broadcast_in_dim3A_145 = vector.broadcast %jit3A_143 : i32 to vector<512x128xi32>
    %broadcast_in_dim3A_146 = vector.broadcast %jit3A_144 : i32 to vector<512x128xi32>
    %select_n3A_147 = arith.select %lt3A_141, %broadcast_in_dim3A_145, %broadcast_in_dim3A_146 : vector<512x128xi1>, vector<512x128xi32>
    %lt3A_148 = arith.cmpf olt, %slice3A_44, %slice3A_43 : vector<512x128xf32>
    %min3A_149 = arith.minimumf %slice3A_43, %slice3A_44 : vector<512x128xf32>
    %jit3A_150 = arith.constant 19 : i32
    %jit3A_151 = arith.constant 18 : i32
    %broadcast_in_dim3A_152 = vector.broadcast %jit3A_150 : i32 to vector<512x128xi32>
    %broadcast_in_dim3A_153 = vector.broadcast %jit3A_151 : i32 to vector<512x128xi32>
    %select_n3A_154 = arith.select %lt3A_148, %broadcast_in_dim3A_152, %broadcast_in_dim3A_153 : vector<512x128xi1>, vector<512x128xi32>
    %lt3A_155 = arith.cmpf olt, %slice3A_46, %slice3A_45 : vector<512x128xf32>
    %min3A_156 = arith.minimumf %slice3A_45, %slice3A_46 : vector<512x128xf32>
    %jit3A_157 = arith.constant 21 : i32
    %jit3A_158 = arith.constant 20 : i32
    %broadcast_in_dim3A_159 = vector.broadcast %jit3A_157 : i32 to vector<512x128xi32>
    %broadcast_in_dim3A_160 = vector.broadcast %jit3A_158 : i32 to vector<512x128xi32>
    %select_n3A_161 = arith.select %lt3A_155, %broadcast_in_dim3A_159, %broadcast_in_dim3A_160 : vector<512x128xi1>, vector<512x128xi32>
    %lt3A_162 = arith.cmpf olt, %slice3A_48, %slice3A_47 : vector<512x128xf32>
    %min3A_163 = arith.minimumf %slice3A_47, %slice3A_48 : vector<512x128xf32>
    %jit3A_164 = arith.constant 23 : i32
    %jit3A_165 = arith.constant 22 : i32
    %broadcast_in_dim3A_166 = vector.broadcast %jit3A_164 : i32 to vector<512x128xi32>
    %broadcast_in_dim3A_167 = vector.broadcast %jit3A_165 : i32 to vector<512x128xi32>
    %select_n3A_168 = arith.select %lt3A_162, %broadcast_in_dim3A_166, %broadcast_in_dim3A_167 : vector<512x128xi1>, vector<512x128xi32>
    %lt3A_169 = arith.cmpf olt, %slice3A_50, %slice3A_49 : vector<512x128xf32>
    %min3A_170 = arith.minimumf %slice3A_49, %slice3A_50 : vector<512x128xf32>
    %jit3A_171 = arith.constant 25 : i32
    %jit3A_172 = arith.constant 24 : i32
    %broadcast_in_dim3A_173 = vector.broadcast %jit3A_171 : i32 to vector<512x128xi32>
    %broadcast_in_dim3A_174 = vector.broadcast %jit3A_172 : i32 to vector<512x128xi32>
    %select_n3A_175 = arith.select %lt3A_169, %broadcast_in_dim3A_173, %broadcast_in_dim3A_174 : vector<512x128xi1>, vector<512x128xi32>
    %lt3A_176 = arith.cmpf olt, %slice3A_52, %slice3A_51 : vector<512x128xf32>
    %min3A_177 = arith.minimumf %slice3A_51, %slice3A_52 : vector<512x128xf32>
    %jit3A_178 = arith.constant 27 : i32
    %jit3A_179 = arith.constant 26 : i32
    %broadcast_in_dim3A_180 = vector.broadcast %jit3A_178 : i32 to vector<512x128xi32>
    %broadcast_in_dim3A_181 = vector.broadcast %jit3A_179 : i32 to vector<512x128xi32>
    %select_n3A_182 = arith.select %lt3A_176, %broadcast_in_dim3A_180, %broadcast_in_dim3A_181 : vector<512x128xi1>, vector<512x128xi32>
    %lt3A_183 = arith.cmpf olt, %slice3A_54, %slice3A_53 : vector<512x128xf32>
    %min3A_184 = arith.minimumf %slice3A_53, %slice3A_54 : vector<512x128xf32>
    %jit3A_185 = arith.constant 29 : i32
    %jit3A_186 = arith.constant 28 : i32
    %broadcast_in_dim3A_187 = vector.broadcast %jit3A_185 : i32 to vector<512x128xi32>
    %broadcast_in_dim3A_188 = vector.broadcast %jit3A_186 : i32 to vector<512x128xi32>
    %select_n3A_189 = arith.select %lt3A_183, %broadcast_in_dim3A_187, %broadcast_in_dim3A_188 : vector<512x128xi1>, vector<512x128xi32>
    %lt3A_190 = arith.cmpf olt, %slice3A_56, %slice3A_55 : vector<512x128xf32>
    %min3A_191 = arith.minimumf %slice3A_55, %slice3A_56 : vector<512x128xf32>
    %jit3A_192 = arith.constant 31 : i32
    %jit3A_193 = arith.constant 30 : i32
    %broadcast_in_dim3A_194 = vector.broadcast %jit3A_192 : i32 to vector<512x128xi32>
    %broadcast_in_dim3A_195 = vector.broadcast %jit3A_193 : i32 to vector<512x128xi32>
    %select_n3A_196 = arith.select %lt3A_190, %broadcast_in_dim3A_194, %broadcast_in_dim3A_195 : vector<512x128xi1>, vector<512x128xi32>
    %lt3A_197 = arith.cmpf olt, %slice3A_58, %slice3A_57 : vector<512x128xf32>
    %min3A_198 = arith.minimumf %slice3A_57, %slice3A_58 : vector<512x128xf32>
    %jit3A_199 = arith.constant 33 : i32
    %jit3A_200 = arith.constant 32 : i32
    %broadcast_in_dim3A_201 = vector.broadcast %jit3A_199 : i32 to vector<512x128xi32>
    %broadcast_in_dim3A_202 = vector.broadcast %jit3A_200 : i32 to vector<512x128xi32>
    %select_n3A_203 = arith.select %lt3A_197, %broadcast_in_dim3A_201, %broadcast_in_dim3A_202 : vector<512x128xi1>, vector<512x128xi32>
    %lt3A_204 = arith.cmpf olt, %slice3A_60, %slice3A_59 : vector<512x128xf32>
    %min3A_205 = arith.minimumf %slice3A_59, %slice3A_60 : vector<512x128xf32>
    %jit3A_206 = arith.constant 35 : i32
    %jit3A_207 = arith.constant 34 : i32
    %broadcast_in_dim3A_208 = vector.broadcast %jit3A_206 : i32 to vector<512x128xi32>
    %broadcast_in_dim3A_209 = vector.broadcast %jit3A_207 : i32 to vector<512x128xi32>
    %select_n3A_210 = arith.select %lt3A_204, %broadcast_in_dim3A_208, %broadcast_in_dim3A_209 : vector<512x128xi1>, vector<512x128xi32>
    %lt3A_211 = arith.cmpf olt, %slice3A_62, %slice3A_61 : vector<512x128xf32>
    %min3A_212 = arith.minimumf %slice3A_61, %slice3A_62 : vector<512x128xf32>
    %jit3A_213 = arith.constant 37 : i32
    %jit3A_214 = arith.constant 36 : i32
    %broadcast_in_dim3A_215 = vector.broadcast %jit3A_213 : i32 to vector<512x128xi32>
    %broadcast_in_dim3A_216 = vector.broadcast %jit3A_214 : i32 to vector<512x128xi32>
    %select_n3A_217 = arith.select %lt3A_211, %broadcast_in_dim3A_215, %broadcast_in_dim3A_216 : vector<512x128xi1>, vector<512x128xi32>
    %lt3A_218 = arith.cmpf olt, %slice3A_64, %slice3A_63 : vector<512x128xf32>
    %min3A_219 = arith.minimumf %slice3A_63, %slice3A_64 : vector<512x128xf32>
    %jit3A_220 = arith.constant 39 : i32
    %jit3A_221 = arith.constant 38 : i32
    %broadcast_in_dim3A_222 = vector.broadcast %jit3A_220 : i32 to vector<512x128xi32>
    %broadcast_in_dim3A_223 = vector.broadcast %jit3A_221 : i32 to vector<512x128xi32>
    %select_n3A_224 = arith.select %lt3A_218, %broadcast_in_dim3A_222, %broadcast_in_dim3A_223 : vector<512x128xi1>, vector<512x128xi32>
    %lt3A_225 = arith.cmpf olt, %slice3A_66, %slice3A_65 : vector<512x128xf32>
    %min3A_226 = arith.minimumf %slice3A_65, %slice3A_66 : vector<512x128xf32>
    %jit3A_227 = arith.constant 41 : i32
    %jit3A_228 = arith.constant 40 : i32
    %broadcast_in_dim3A_229 = vector.broadcast %jit3A_227 : i32 to vector<512x128xi32>
    %broadcast_in_dim3A_230 = vector.broadcast %jit3A_228 : i32 to vector<512x128xi32>
    %select_n3A_231 = arith.select %lt3A_225, %broadcast_in_dim3A_229, %broadcast_in_dim3A_230 : vector<512x128xi1>, vector<512x128xi32>
    %lt3A_232 = arith.cmpf olt, %slice3A_68, %slice3A_67 : vector<512x128xf32>
    %min3A_233 = arith.minimumf %slice3A_67, %slice3A_68 : vector<512x128xf32>
    %jit3A_234 = arith.constant 43 : i32
    %jit3A_235 = arith.constant 42 : i32
    %broadcast_in_dim3A_236 = vector.broadcast %jit3A_234 : i32 to vector<512x128xi32>
    %broadcast_in_dim3A_237 = vector.broadcast %jit3A_235 : i32 to vector<512x128xi32>
    %select_n3A_238 = arith.select %lt3A_232, %broadcast_in_dim3A_236, %broadcast_in_dim3A_237 : vector<512x128xi1>, vector<512x128xi32>
    %lt3A_239 = arith.cmpf olt, %slice3A_70, %slice3A_69 : vector<512x128xf32>
    %min3A_240 = arith.minimumf %slice3A_69, %slice3A_70 : vector<512x128xf32>
    %jit3A_241 = arith.constant 45 : i32
    %jit3A_242 = arith.constant 44 : i32
    %broadcast_in_dim3A_243 = vector.broadcast %jit3A_241 : i32 to vector<512x128xi32>
    %broadcast_in_dim3A_244 = vector.broadcast %jit3A_242 : i32 to vector<512x128xi32>
    %select_n3A_245 = arith.select %lt3A_239, %broadcast_in_dim3A_243, %broadcast_in_dim3A_244 : vector<512x128xi1>, vector<512x128xi32>
    %lt3A_246 = arith.cmpf olt, %slice3A_72, %slice3A_71 : vector<512x128xf32>
    %min3A_247 = arith.minimumf %slice3A_71, %slice3A_72 : vector<512x128xf32>
    %jit3A_248 = arith.constant 47 : i32
    %jit3A_249 = arith.constant 46 : i32
    %broadcast_in_dim3A_250 = vector.broadcast %jit3A_248 : i32 to vector<512x128xi32>
    %broadcast_in_dim3A_251 = vector.broadcast %jit3A_249 : i32 to vector<512x128xi32>
    %select_n3A_252 = arith.select %lt3A_246, %broadcast_in_dim3A_250, %broadcast_in_dim3A_251 : vector<512x128xi1>, vector<512x128xi32>
    %lt3A_253 = arith.cmpf olt, %slice3A_74, %slice3A_73 : vector<512x128xf32>
    %min3A_254 = arith.minimumf %slice3A_73, %slice3A_74 : vector<512x128xf32>
    %jit3A_255 = arith.constant 49 : i32
    %jit3A_256 = arith.constant 48 : i32
    %broadcast_in_dim3A_257 = vector.broadcast %jit3A_255 : i32 to vector<512x128xi32>
    %broadcast_in_dim3A_258 = vector.broadcast %jit3A_256 : i32 to vector<512x128xi32>
    %select_n3A_259 = arith.select %lt3A_253, %broadcast_in_dim3A_257, %broadcast_in_dim3A_258 : vector<512x128xi1>, vector<512x128xi32>
    %lt3A_260 = arith.cmpf olt, %slice3A_76, %slice3A_75 : vector<512x128xf32>
    %min3A_261 = arith.minimumf %slice3A_75, %slice3A_76 : vector<512x128xf32>
    %jit3A_262 = arith.constant 51 : i32
    %jit3A_263 = arith.constant 50 : i32
    %broadcast_in_dim3A_264 = vector.broadcast %jit3A_262 : i32 to vector<512x128xi32>
    %broadcast_in_dim3A_265 = vector.broadcast %jit3A_263 : i32 to vector<512x128xi32>
    %select_n3A_266 = arith.select %lt3A_260, %broadcast_in_dim3A_264, %broadcast_in_dim3A_265 : vector<512x128xi1>, vector<512x128xi32>
    %lt3A_267 = arith.cmpf olt, %slice3A_78, %slice3A_77 : vector<512x128xf32>
    %min3A_268 = arith.minimumf %slice3A_77, %slice3A_78 : vector<512x128xf32>
    %jit3A_269 = arith.constant 53 : i32
    %jit3A_270 = arith.constant 52 : i32
    %broadcast_in_dim3A_271 = vector.broadcast %jit3A_269 : i32 to vector<512x128xi32>
    %broadcast_in_dim3A_272 = vector.broadcast %jit3A_270 : i32 to vector<512x128xi32>
    %select_n3A_273 = arith.select %lt3A_267, %broadcast_in_dim3A_271, %broadcast_in_dim3A_272 : vector<512x128xi1>, vector<512x128xi32>
    %lt3A_274 = arith.cmpf olt, %slice3A_80, %slice3A_79 : vector<512x128xf32>
    %min3A_275 = arith.minimumf %slice3A_79, %slice3A_80 : vector<512x128xf32>
    %jit3A_276 = arith.constant 55 : i32
    %jit3A_277 = arith.constant 54 : i32
    %broadcast_in_dim3A_278 = vector.broadcast %jit3A_276 : i32 to vector<512x128xi32>
    %broadcast_in_dim3A_279 = vector.broadcast %jit3A_277 : i32 to vector<512x128xi32>
    %select_n3A_280 = arith.select %lt3A_274, %broadcast_in_dim3A_278, %broadcast_in_dim3A_279 : vector<512x128xi1>, vector<512x128xi32>
    %lt3A_281 = arith.cmpf olt, %slice3A_82, %slice3A_81 : vector<512x128xf32>
    %min3A_282 = arith.minimumf %slice3A_81, %slice3A_82 : vector<512x128xf32>
    %jit3A_283 = arith.constant 57 : i32
    %jit3A_284 = arith.constant 56 : i32
    %broadcast_in_dim3A_285 = vector.broadcast %jit3A_283 : i32 to vector<512x128xi32>
    %broadcast_in_dim3A_286 = vector.broadcast %jit3A_284 : i32 to vector<512x128xi32>
    %select_n3A_287 = arith.select %lt3A_281, %broadcast_in_dim3A_285, %broadcast_in_dim3A_286 : vector<512x128xi1>, vector<512x128xi32>
    %lt3A_288 = arith.cmpf olt, %slice3A_84, %slice3A_83 : vector<512x128xf32>
    %min3A_289 = arith.minimumf %slice3A_83, %slice3A_84 : vector<512x128xf32>
    %jit3A_290 = arith.constant 59 : i32
    %jit3A_291 = arith.constant 58 : i32
    %broadcast_in_dim3A_292 = vector.broadcast %jit3A_290 : i32 to vector<512x128xi32>
    %broadcast_in_dim3A_293 = vector.broadcast %jit3A_291 : i32 to vector<512x128xi32>
    %select_n3A_294 = arith.select %lt3A_288, %broadcast_in_dim3A_292, %broadcast_in_dim3A_293 : vector<512x128xi1>, vector<512x128xi32>
    %lt3A_295 = arith.cmpf olt, %slice3A_86, %slice3A_85 : vector<512x128xf32>
    %min3A_296 = arith.minimumf %slice3A_85, %slice3A_86 : vector<512x128xf32>
    %jit3A_297 = arith.constant 61 : i32
    %jit3A_298 = arith.constant 60 : i32
    %broadcast_in_dim3A_299 = vector.broadcast %jit3A_297 : i32 to vector<512x128xi32>
    %broadcast_in_dim3A_300 = vector.broadcast %jit3A_298 : i32 to vector<512x128xi32>
    %select_n3A_301 = arith.select %lt3A_295, %broadcast_in_dim3A_299, %broadcast_in_dim3A_300 : vector<512x128xi1>, vector<512x128xi32>
    %lt3A_302 = arith.cmpf olt, %slice3A_88, %slice3A_87 : vector<512x128xf32>
    %min3A_303 = arith.minimumf %slice3A_87, %slice3A_88 : vector<512x128xf32>
    %jit3A_304 = arith.constant 63 : i32
    %jit3A_305 = arith.constant 62 : i32
    %broadcast_in_dim3A_306 = vector.broadcast %jit3A_304 : i32 to vector<512x128xi32>
    %broadcast_in_dim3A_307 = vector.broadcast %jit3A_305 : i32 to vector<512x128xi32>
    %select_n3A_308 = arith.select %lt3A_302, %broadcast_in_dim3A_306, %broadcast_in_dim3A_307 : vector<512x128xi1>, vector<512x128xi32>
    %lt3A_309 = arith.cmpf olt, %min3A_93, %min3A : vector<512x128xf32>
    %min3A_310 = arith.minimumf %min3A, %min3A_93 : vector<512x128xf32>
    %select_n3A_311 = arith.select %lt3A_309, %select_n3A_98, %select_n3A : vector<512x128xi1>, vector<512x128xi32>
    %lt3A_312 = arith.cmpf olt, %min3A_107, %min3A_100 : vector<512x128xf32>
    %min3A_313 = arith.minimumf %min3A_100, %min3A_107 : vector<512x128xf32>
    %select_n3A_314 = arith.select %lt3A_312, %select_n3A_112, %select_n3A_105 : vector<512x128xi1>, vector<512x128xi32>
    %lt3A_315 = arith.cmpf olt, %min3A_121, %min3A_114 : vector<512x128xf32>
    %min3A_316 = arith.minimumf %min3A_114, %min3A_121 : vector<512x128xf32>
    %select_n3A_317 = arith.select %lt3A_315, %select_n3A_126, %select_n3A_119 : vector<512x128xi1>, vector<512x128xi32>
    %lt3A_318 = arith.cmpf olt, %min3A_135, %min3A_128 : vector<512x128xf32>
    %min3A_319 = arith.minimumf %min3A_128, %min3A_135 : vector<512x128xf32>
    %select_n3A_320 = arith.select %lt3A_318, %select_n3A_140, %select_n3A_133 : vector<512x128xi1>, vector<512x128xi32>
    %lt3A_321 = arith.cmpf olt, %min3A_149, %min3A_142 : vector<512x128xf32>
    %min3A_322 = arith.minimumf %min3A_142, %min3A_149 : vector<512x128xf32>
    %select_n3A_323 = arith.select %lt3A_321, %select_n3A_154, %select_n3A_147 : vector<512x128xi1>, vector<512x128xi32>
    %lt3A_324 = arith.cmpf olt, %min3A_163, %min3A_156 : vector<512x128xf32>
    %min3A_325 = arith.minimumf %min3A_156, %min3A_163 : vector<512x128xf32>
    %select_n3A_326 = arith.select %lt3A_324, %select_n3A_168, %select_n3A_161 : vector<512x128xi1>, vector<512x128xi32>
    %lt3A_327 = arith.cmpf olt, %min3A_177, %min3A_170 : vector<512x128xf32>
    %min3A_328 = arith.minimumf %min3A_170, %min3A_177 : vector<512x128xf32>
    %select_n3A_329 = arith.select %lt3A_327, %select_n3A_182, %select_n3A_175 : vector<512x128xi1>, vector<512x128xi32>
    %lt3A_330 = arith.cmpf olt, %min3A_191, %min3A_184 : vector<512x128xf32>
    %min3A_331 = arith.minimumf %min3A_184, %min3A_191 : vector<512x128xf32>
    %select_n3A_332 = arith.select %lt3A_330, %select_n3A_196, %select_n3A_189 : vector<512x128xi1>, vector<512x128xi32>
    %lt3A_333 = arith.cmpf olt, %min3A_205, %min3A_198 : vector<512x128xf32>
    %min3A_334 = arith.minimumf %min3A_198, %min3A_205 : vector<512x128xf32>
    %select_n3A_335 = arith.select %lt3A_333, %select_n3A_210, %select_n3A_203 : vector<512x128xi1>, vector<512x128xi32>
    %lt3A_336 = arith.cmpf olt, %min3A_219, %min3A_212 : vector<512x128xf32>
    %min3A_337 = arith.minimumf %min3A_212, %min3A_219 : vector<512x128xf32>
    %select_n3A_338 = arith.select %lt3A_336, %select_n3A_224, %select_n3A_217 : vector<512x128xi1>, vector<512x128xi32>
    %lt3A_339 = arith.cmpf olt, %min3A_233, %min3A_226 : vector<512x128xf32>
    %min3A_340 = arith.minimumf %min3A_226, %min3A_233 : vector<512x128xf32>
    %select_n3A_341 = arith.select %lt3A_339, %select_n3A_238, %select_n3A_231 : vector<512x128xi1>, vector<512x128xi32>
    %lt3A_342 = arith.cmpf olt, %min3A_247, %min3A_240 : vector<512x128xf32>
    %min3A_343 = arith.minimumf %min3A_240, %min3A_247 : vector<512x128xf32>
    %select_n3A_344 = arith.select %lt3A_342, %select_n3A_252, %select_n3A_245 : vector<512x128xi1>, vector<512x128xi32>
    %lt3A_345 = arith.cmpf olt, %min3A_261, %min3A_254 : vector<512x128xf32>
    %min3A_346 = arith.minimumf %min3A_254, %min3A_261 : vector<512x128xf32>
    %select_n3A_347 = arith.select %lt3A_345, %select_n3A_266, %select_n3A_259 : vector<512x128xi1>, vector<512x128xi32>
    %lt3A_348 = arith.cmpf olt, %min3A_275, %min3A_268 : vector<512x128xf32>
    %min3A_349 = arith.minimumf %min3A_268, %min3A_275 : vector<512x128xf32>
    %select_n3A_350 = arith.select %lt3A_348, %select_n3A_280, %select_n3A_273 : vector<512x128xi1>, vector<512x128xi32>
    %lt3A_351 = arith.cmpf olt, %min3A_289, %min3A_282 : vector<512x128xf32>
    %min3A_352 = arith.minimumf %min3A_282, %min3A_289 : vector<512x128xf32>
    %select_n3A_353 = arith.select %lt3A_351, %select_n3A_294, %select_n3A_287 : vector<512x128xi1>, vector<512x128xi32>
    %lt3A_354 = arith.cmpf olt, %min3A_303, %min3A_296 : vector<512x128xf32>
    %min3A_355 = arith.minimumf %min3A_296, %min3A_303 : vector<512x128xf32>
    %select_n3A_356 = arith.select %lt3A_354, %select_n3A_308, %select_n3A_301 : vector<512x128xi1>, vector<512x128xi32>
    %lt3A_357 = arith.cmpf olt, %min3A_313, %min3A_310 : vector<512x128xf32>
    %min3A_358 = arith.minimumf %min3A_310, %min3A_313 : vector<512x128xf32>
    %select_n3A_359 = arith.select %lt3A_357, %select_n3A_314, %select_n3A_311 : vector<512x128xi1>, vector<512x128xi32>
    %lt3A_360 = arith.cmpf olt, %min3A_319, %min3A_316 : vector<512x128xf32>
    %min3A_361 = arith.minimumf %min3A_316, %min3A_319 : vector<512x128xf32>
    %select_n3A_362 = arith.select %lt3A_360, %select_n3A_320, %select_n3A_317 : vector<512x128xi1>, vector<512x128xi32>
    %lt3A_363 = arith.cmpf olt, %min3A_325, %min3A_322 : vector<512x128xf32>
    %min3A_364 = arith.minimumf %min3A_322, %min3A_325 : vector<512x128xf32>
    %select_n3A_365 = arith.select %lt3A_363, %select_n3A_326, %select_n3A_323 : vector<512x128xi1>, vector<512x128xi32>
    %lt3A_366 = arith.cmpf olt, %min3A_331, %min3A_328 : vector<512x128xf32>
    %min3A_367 = arith.minimumf %min3A_328, %min3A_331 : vector<512x128xf32>
    %select_n3A_368 = arith.select %lt3A_366, %select_n3A_332, %select_n3A_329 : vector<512x128xi1>, vector<512x128xi32>
    %lt3A_369 = arith.cmpf olt, %min3A_337, %min3A_334 : vector<512x128xf32>
    %min3A_370 = arith.minimumf %min3A_334, %min3A_337 : vector<512x128xf32>
    %select_n3A_371 = arith.select %lt3A_369, %select_n3A_338, %select_n3A_335 : vector<512x128xi1>, vector<512x128xi32>
    %lt3A_372 = arith.cmpf olt, %min3A_343, %min3A_340 : vector<512x128xf32>
    %min3A_373 = arith.minimumf %min3A_340, %min3A_343 : vector<512x128xf32>
    %select_n3A_374 = arith.select %lt3A_372, %select_n3A_344, %select_n3A_341 : vector<512x128xi1>, vector<512x128xi32>
    %lt3A_375 = arith.cmpf olt, %min3A_349, %min3A_346 : vector<512x128xf32>
    %min3A_376 = arith.minimumf %min3A_346, %min3A_349 : vector<512x128xf32>
    %select_n3A_377 = arith.select %lt3A_375, %select_n3A_350, %select_n3A_347 : vector<512x128xi1>, vector<512x128xi32>
    %lt3A_378 = arith.cmpf olt, %min3A_355, %min3A_352 : vector<512x128xf32>
    %min3A_379 = arith.minimumf %min3A_352, %min3A_355 : vector<512x128xf32>
    %select_n3A_380 = arith.select %lt3A_378, %select_n3A_356, %select_n3A_353 : vector<512x128xi1>, vector<512x128xi32>
    %lt3A_381 = arith.cmpf olt, %min3A_361, %min3A_358 : vector<512x128xf32>
    %min3A_382 = arith.minimumf %min3A_358, %min3A_361 : vector<512x128xf32>
    %select_n3A_383 = arith.select %lt3A_381, %select_n3A_362, %select_n3A_359 : vector<512x128xi1>, vector<512x128xi32>
    %lt3A_384 = arith.cmpf olt, %min3A_367, %min3A_364 : vector<512x128xf32>
    %min3A_385 = arith.minimumf %min3A_364, %min3A_367 : vector<512x128xf32>
    %select_n3A_386 = arith.select %lt3A_384, %select_n3A_368, %select_n3A_365 : vector<512x128xi1>, vector<512x128xi32>
    %lt3A_387 = arith.cmpf olt, %min3A_373, %min3A_370 : vector<512x128xf32>
    %min3A_388 = arith.minimumf %min3A_370, %min3A_373 : vector<512x128xf32>
    %select_n3A_389 = arith.select %lt3A_387, %select_n3A_374, %select_n3A_371 : vector<512x128xi1>, vector<512x128xi32>
    %lt3A_390 = arith.cmpf olt, %min3A_379, %min3A_376 : vector<512x128xf32>
    %min3A_391 = arith.minimumf %min3A_376, %min3A_379 : vector<512x128xf32>
    %select_n3A_392 = arith.select %lt3A_390, %select_n3A_380, %select_n3A_377 : vector<512x128xi1>, vector<512x128xi32>
    %lt3A_393 = arith.cmpf olt, %min3A_385, %min3A_382 : vector<512x128xf32>
    %min3A_394 = arith.minimumf %min3A_382, %min3A_385 : vector<512x128xf32>
    %select_n3A_395 = arith.select %lt3A_393, %select_n3A_386, %select_n3A_383 : vector<512x128xi1>, vector<512x128xi32>
    %lt3A_396 = arith.cmpf olt, %min3A_391, %min3A_388 : vector<512x128xf32>
    %min3A_397 = arith.minimumf %min3A_388, %min3A_391 : vector<512x128xf32>
    %select_n3A_398 = arith.select %lt3A_396, %select_n3A_392, %select_n3A_389 : vector<512x128xi1>, vector<512x128xi32>
    %lt3A_399 = arith.cmpf olt, %min3A_397, %min3A_394 : vector<512x128xf32>
    %min3A_400 = arith.minimumf %min3A_394, %min3A_397 : vector<512x128xf32>
    %select_n3A_401 = arith.select %lt3A_399, %select_n3A_398, %select_n3A_395 : vector<512x128xi1>, vector<512x128xi32>
    %reduce_min3A = arith.constant dense<0x7F800000> : vector<512xf32>
    %reduce_min3A_402 = vector.multi_reduction <minimumf>, %min3A_400, %reduce_min3A [1] : vector<512x128xf32> to vector<512xf32>
    %broadcast_in_dim3A_403 = vector.shape_cast %reduce_min3A_402 : vector<512xf32> to vector<512x1xf32>
    %sub3A_404 = vector.broadcast %broadcast_in_dim3A_403 : vector<512x1xf32> to vector<512x8192xf32>
    %sub3A_405 = arith.subf %sub3A_404, %sub3A : vector<512x8192xf32>
    %exp3A = math.exp %sub3A_405 : vector<512x8192xf32>
    %reduce_sum3A_406 = arith.constant dense<0.000000e+00> : vector<512xf32>
    %reduce_sum3A_407 = vector.multi_reduction <add>, %exp3A, %reduce_sum3A_406 [1] : vector<512x8192xf32> to vector<512xf32>
    %broadcast_in_dim3A_408 = vector.shape_cast %reduce_sum3A_407 : vector<512xf32> to vector<512x1xf32>
    %div3A_409 = vector.broadcast %broadcast_in_dim3A_408 : vector<512x1xf32> to vector<512x8192xf32>
    %div3A_410 = arith.divf %exp3A, %div3A_409 : vector<512x8192xf32>
    %swap3A_411 = arith.constant 0 : index
    %swap3A_412 = arith.constant 0 : index
    %swap3A_413 = vector.load %arg3[%swap3A_411, %swap3A_412] : memref<512x8192xf32, #tpu.memory_space<vmem>>, vector<512x8192xf32>
    tpu.vector_store %arg3[%swap3A_411, %swap3A_412], %div3A_410 {strides = array<i32>} : memref<512x8192xf32, #tpu.memory_space<vmem>>, vector<512x8192xf32>,
    %iota3A = tpu.iota {dimensions = array<i32: 1>} : vector<512x128xi32>
    %mul3A_414 = arith.constant 128 : i32
    %mul3A_415 = vector.broadcast %mul3A_414 : i32 to vector<512x128xi32>
    %mul3A_416 = arith.muli %select_n3A_401, %mul3A_415 : vector<512x128xi32>
    %add3A_417 = arith.addi %mul3A_416, %iota3A : vector<512x128xi32>
    %eq3A_418 = vector.broadcast %broadcast_in_dim3A_403 : vector<512x1xf32> to vector<512x128xf32>
    %eq3A_419 = arith.cmpf oeq, %min3A_400, %eq3A_418 : vector<512x128xf32>
    %jit3A_420 = arith.constant 8192 : i32
    %broadcast_in_dim3A_421 = vector.broadcast %jit3A_420 : i32 to vector<512x128xi32>
    %select_n3A_422 = arith.select %eq3A_419, %add3A_417, %broadcast_in_dim3A_421 : vector<512x128xi1>, vector<512x128xi32>
    %reduce_min3A_423 = arith.constant dense<2147483647> : vector<512xi32>
    %reduce_min3A_424 = vector.multi_reduction <minsi>, %select_n3A_422, %reduce_min3A_423 [1] : vector<512x128xi32> to vector<512xi32>
    %swap3A_425 = arith.constant 0 : index
    %swap3A_426 = arith.constant 0 : index
    %swap3A_427 = arith.constant 0 : index
    %swap3A_428 = vector.load %arg5[%swap3A_425, %swap3A_426, %swap3A_427] : memref<1x1x512xi32, #tpu.memory_space<vmem>>, vector<1x1x512xi32>
    %swap3A_429 = vector.shape_cast %swap3A_428 : vector<1x1x512xi32> to vector<512xi32>
    %swap3A_430 = vector.shape_cast %reduce_min3A_424 : vector<512xi32> to vector<1x1x512xi32>
    tpu.vector_store %arg5[%swap3A_425, %swap3A_426, %swap3A_427], %swap3A_430 {strides = array<i32>} : memref<1x1x512xi32, #tpu.memory_space<vmem>>, vector<1x1x512xi32>,
    return
  }
  func.func @transform_0(%arg0: i32) -> (i32, i32) {
    %c0_i32 = arith.constant 0 : i32
    %c0_i32_0 = arith.constant 0 : i32
    return %arg0, %c0_i32 : i32, i32
  }
  func.func @transform_1(%arg0: i32) -> (i32, i32) {
    %c0_i32 = arith.constant 0 : i32
    %c0_i32_0 = arith.constant 0 : i32
    %c0_i32_1 = arith.constant 0 : i32
    return %c0_i32, %c0_i32_0 : i32, i32
  }
  func.func @transform_2(%arg0: i32) -> (i32, i32) {
    %c0_i32 = arith.constant 0 : i32
    %c0_i32_0 = arith.constant 0 : i32
    return %arg0, %c0_i32 : i32, i32
  }
  func.func @transform_3(%arg0: i32) -> (i32, i32) {
    %c0_i32 = arith.constant 0 : i32
    %c0_i32_0 = arith.constant 0 : i32
    return %arg0, %c0_i32 : i32, i32
  }
  func.func @transform_4(%arg0: i32) -> (i32, i32, i32) {
    %c0_i32 = arith.constant 0 : i32
    %c0_i32_0 = arith.constant 0 : i32
    %c0_i32_1 = arith.constant 0 : i32
    return %arg0, %c0_i32, %c0_i32_0 : i32, i32, i32
  }
  func.func @transform_5(%arg0: i32) -> (i32, i32) {
    %c0_i32 = arith.constant 0 : i32
    %c0_i32_0 = arith.constant 0 : i32
    %c0_i32_1 = arith.constant 0 : i32
    return %c0_i32, %c0_i32_0 : i32, i32
  }
}

</mosaic_0001>

<sc_bundles>
// kernel: kernel.4.cloned.1.call-start
scs
__scs_entry_jumppad:
0x0: {  	(pc) =	sbr.rel $0x88, $3  }
0x1: {  	(tag) =	ssettag $0x0;
	lr =	simm.s32 $0x1  }
0x2: {  	[smem:$0x3F9F] =	sst lr;
	_ =	strace $0xD0000000  }
0x3: {  	_ = 	snop  }
0x4: {  	_ = 	snop  }
0x5: {  	_ = 	snop  }
0x6: {  	_ = 	snop  }
0x7: {  	_ = 	snop  }
__scs_overlays_trampoline_lowered:
0x8: {  	[smem:$0x3FAE] =	sst s0  }
0x9: {  	[smem:$0x3FAF] =	sst s1  }
0xa: {  	[smem:$0x3FB0] =	sst s2  }
0xb: {  	[smem:$0x3FB1] =	sst s3  }
0xc: {  	[smem:$0x3FB2] =	sst s4  }
0xd: {  	[smem:$0x3FB3] =	sst s5  }
0xe: {  	[smem:$0x3FB4] =	sst s6  }
0xf: {  	[smem:$0x3FB5] =	sst s7  }
0x10: {  	[smem:$0x3FB6] =	sst s8  }
0x11: {  	[smem:$0x3FB7] =	sst s9;
	s0 =	simm.s32 @!p0 $0x0  }
0x12: {  	s1 =	sld [smem:$0x3F9D];
	s0 =	simm.s32 @p0 $0x1  }
0x13: {  	[smem:$0x3FB8] =	sst s0;
	s0 =	simm.s32 @!p1 $0x0  }
0x14: {  	s2 =	sld [smem:$0x3F9C];
	s0 =	simm.s32 @p1 $0x1  }
0x15: {  	[smem:$0x3FB9] =	sst s0;
	s0 =	simm.s32 @!p2 $0x0  }
0x16: {  	s3 =	sld [smem:$0x3FDB];
	s0 =	simm.s32 @p2 $0x1  }
0x17: {  	s4 =	simm.s32 $0x1BF5;
	[smem:$0x3FBB] =	sst s0  }
0x18: {  	s0 =	sld [smem:$0x3F9E];
	_ =	swait.ge [sflag:s4], $0x0  }
0x19: {  	s7 =	sld [smem:$0x3F9F]  }
0x1a: {  	s8 =	sadd.s32 $0xFFFFE003, lr  }
0x1b: {  	s9 =	sadd.s32 $0xFFFFFEF7, lr;
	s5 =	simm.s32 $0xFFFFFFFF;
	p2 =	slt.u32 s8, $0xFFFFF086  }
0x1c: {  	p1 =	slt.u32 s9, $0xF7A;
	s5 =	simm.s32 @!p2 $0x0  }
0x1d: {  	s5 =	simm.s32 @p1 $0x1;
	p0 =	seq.s32 s7, s2  }
0x1e: {  	s7 =	smul.u32 @!p0 $0xF7A, s2;
	p2 =	seq.s32 @!p0 s5, $0x0  }
0x1f: {  	s9 =	smul.u32 $0xF7A, s1;
	s8 =	simm.s32 @!p0 $0x1BF5;
	p2 =	por !p2, p0  }
0x20: {  	[sflag:s8] =	ssyncset.s32 @!p0 $0xFFFFF086;
	s6 =	sadd.s32 @!p0 s3, s7;
	s7 =	simm.s32 @!p0 $0x108  }
0x21: {  	s3 =	sadd.s32 s3, s9;
	s6 =	sadd.s32 @!p0 $0x88, s6;
	s7 =	simm.s32 @p2 $0x1082  }
0x22: {  	[simem:s7], [sflag:s8] =	dma.local @!p0 [hbm:s6], $0xF7A  }
0x23: {  	s9 =	sor.u32 $0xD0000000, s2;
	s6 =	simm.s32 $0x108;
	_ =	swait.ge @!p0 [sflag:s8], $0x0  }
0x24: {  	s3 =	sadd.s32 $0x88, s3;
	s6 =	simm.s32 @!p1 $0x1082;
	[sflag:s4] =	ssyncset.s32 $0xFFFFF086  }
0x25: {  	[simem:s6], [sflag:s4] =	dma.local [hbm:s3], $0xF7A  }
0x26: {  	[smem:$0x3F9F] =	sst s1;
	(tag) =	ssettag s2;
	_ =	strace s9  }
0x27: {  	s1 =	sld [smem:$0x3FAF]  }
0x28: {  	s2 =	sld [smem:$0x3FB0]  }
0x29: {  	s4 =	sld [smem:$0x3FB2]  }
0x2a: {  	p0 =	seq.s32 s5, $0x0;
	s5 =	sld [smem:$0x3FB3]  }
0x2b: {  	s6 =	sld [smem:$0x3FB4]  }
0x2c: {  	s7 =	sld [smem:$0x3FB5]  }
0x2d: {  	s3 =	simm.s32 $0x108;
	s8 =	sld [smem:$0x3FB6]  }
0x2e: {  	s3 =	simm.s32 @!p0 $0x1082;
	s9 =	sld [smem:$0x3FB7]  }
0x2f: {  	lr =	sadd.s32 s0, s3;
	s0 =	sld [smem:$0x3FAE]  }
0x30: {  	s3 =	sld [smem:$0x3FB1]  }
0x31: {  	[smem:$0x3FBA] =	sst s10  }
0x32: {  	s10 =	sld [smem:$0x3FB8];
	_ =	sdelay $0x3  }
0x33: {  	p0 =	seq.s32 s10, $0x1;
	s10 =	sld [smem:$0x3FBA];
	_ =	sdelay $0x3  }
0x34: {  	[smem:$0x3FBA] =	sst s10  }
0x35: {  	s10 =	sld [smem:$0x3FB9];
	_ =	sdelay $0x3  }
0x36: {  	p1 =	seq.s32 s10, $0x1;
	s10 =	sld [smem:$0x3FBA];
	_ =	sdelay $0x3  }
0x37: {  	[smem:$0x3FBA] =	sst s10  }
0x38: {  	s10 =	sld [smem:$0x3FBB]  }
0x39: {  	_ = 	snop;
	(pc) =	sbr.ind lr, $3  }
0x3a: {  	_ = 	snop  }
0x3b: {  	_ = 	snop  }
0x3c: {  	p2 =	seq.s32 s10, $0x1;
	s10 =	sld [smem:$0x3FBA]  }
0x3d: {  	_ =	shalt  }
0x3e: {  	_ =	shalt  }
0x3f: {  	_ =	shalt  }
0x40: {  	_ =	shalt  }
0x41: {  	_ =	shalt  }
0x42: {  	_ =	shalt  }
0x43: {  	_ =	shalt  }
0x44: {  	_ =	shalt  }
0x45: {  	_ =	shalt  }
0x46: {  	_ =	shalt  }
0x47: {  	_ =	shalt  }
0x48: {  	_ =	shalt  }
0x49: {  	_ =	shalt  }
0x4a: {  	_ =	shalt  }
0x4b: {  	_ =	shalt  }
0x4c: {  	_ =	shalt  }
0x4d: {  	_ =	shalt  }
0x4e: {  	_ =	shalt  }
0x4f: {  	_ =	shalt  }
0x50: {  	_ =	shalt  }
0x51: {  	_ =	shalt  }
0x52: {  	_ =	shalt  }
0x53: {  	_ =	shalt  }
0x54: {  	_ =	shalt  }
0x55: {  	_ =	shalt  }
0x56: {  	_ =	shalt  }
0x57: {  	_ =	shalt  }
0x58: {  	_ =	shalt  }
0x59: {  	_ =	shalt  }
0x5a: {  	_ =	shalt  }
0x5b: {  	_ =	shalt  }
0x5c: {  	_ =	shalt  }
0x5d: {  	_ =	shalt  }
0x5e: {  	_ =	shalt  }
0x5f: {  	_ =	shalt  }
0x60: {  	_ =	shalt  }
0x61: {  	_ =	shalt  }
0x62: {  	_ =	shalt  }
0x63: {  	_ =	shalt  }
0x64: {  	_ =	shalt  }
0x65: {  	_ =	shalt  }
0x66: {  	_ =	shalt  }
0x67: {  	_ =	shalt  }
0x68: {  	_ =	shalt  }
0x69: {  	_ =	shalt  }
0x6a: {  	_ =	shalt  }
0x6b: {  	_ =	shalt  }
0x6c: {  	_ =	shalt  }
0x6d: {  	_ =	shalt  }
0x6e: {  	_ =	shalt  }
0x6f: {  	_ =	shalt  }
0x70: {  	_ =	shalt  }
0x71: {  	_ =	shalt  }
0x72: {  	_ =	shalt  }
0x73: {  	_ =	shalt  }
0x74: {  	_ =	shalt  }
0x75: {  	_ =	shalt  }
0x76: {  	_ =	shalt  }
0x77: {  	_ =	shalt  }
0x78: {  	_ =	shalt  }
0x79: {  	_ =	shalt  }
0x7a: {  	_ =	shalt  }
0x7b: {  	_ =	shalt  }
0x7c: {  	_ =	shalt  }
0x7d: {  	_ =	shalt  }
0x7e: {  	_ =	shalt  }
0x7f: {  	_ =	shalt  }
0x80: {  	_ =	shalt  }
0x81: {  	_ =	shalt  }
0x82: {  	_ =	shalt  }
0x83: {  	_ =	shalt  }
0x84: {  	_ =	shalt  }
0x85: {  	_ =	shalt  }
0x86: {  	_ =	shalt  }
0x87: {  	_ =	shalt  }
.Lfunc_end0:
.L_simem_size_0:
called_computation_lowered:
.L_overlay_start_0:
0x88: {  	s2 =	sld [smem:$0x3FD9]  }
0x89: {  	s3 =	sld [smem:$0x3FFE];
	_ =	sdelay $0x1  }
0x8a: {  	s1 =	srdreg.scid  }
0x8b: {  	s0 =	sand.u32 $0x1, s1  }
0x8c: {  	s14 =	sshll.u32 s0, $0xA;
	s2 =	sadd.s32 s3, s2  }
0x8d: {  	s2 =	sadd.s32 s2, s14  }
0x8e: {  	[smem:$0x3FC6] =	sst s2  }
0x8f: {  	_ = 	snop  }
0x90: {  	s2 =	sld [smem:$0x3FD0];
	_ =	sdelay $0x2  }
0x91: {  	s15 =	simm.s32 $0xA;
	s4 =	simm.s32 $0x10  }
0x92: {  	[smem:s4], [sflag:s15] =	dma.local [hbm:s2], $0x1  }
0x93: {  	_ =	swait.eq [sflag:s15], $0x1  }
0x94: {  	[sflag:s15] =	ssyncset.done $0x0  }
0x95: {  	[sflag:s15] =	ssyncadd.s32 $0xFFFFFFFF  }
0x96: {  	s16 =	sld [smem:$0x10];
	(tm) =	ssettm $0x1  }
0x97: {  	s17 =	sld [smem:$0x3FFB];
	_ =	sdelay $0x3  }
0x98: {  	_ =	strace s17  }
0x99: {  	s3 =	sld [smem:$0x3FFC];
	_ =	sdelay $0x3  }
0x9a: {  	_ =	strace s3  }
0x9b: {  	s3 =	sld [smem:$0x3FFD];
	_ =	sdelay $0x3  }
0x9c: {  	_ =	strace s3  }
0x9d: {  	_ =	strace $0x8FFFFFFF  }
0x9e: {  	s18 =	sld [smem:$0x3FDB];
	_ =	sdelay $0x1  }
0x9f: {  	s19 =	simm.s32 $_scs_section_size  }
0xa0: {  	s5 =	simm.s32 $_size__tile_overlayer_lowered;
	s6 =	simm.s32 $_tile_overlayer_lowered  }
0xa1: {  	s22 =	simm.s32 $0x1BFF;
	s21 =	sshll.u32 s6, $0x1;
	s3 =	sadd.s32 s19, s18  }
0xa2: {  	s7 =	simm.s32 $0x0;
	s20 =	sshll.u32 s5, $0x1;
	s5 =	sadd.s32 s21, s3  }
0xa3: {  	[timem:s7], [sflag:s22] =	dma.local [hbm:s5], s20  }
0xa4: {  	_ =	swait.ge [sflag:s22], s20  }
0xa5: {  	s4 =	ssub.s32 $0x0, s20;
	[sflag:s22] =	ssyncset.done $0x0  }
0xa6: {  	[sflag:s22] =	ssyncadd.s32 s4;
	_ =	sdelay $0x1  }
0xa7: {  	s23 =	simm.s32 $0x1B8B  }
0xa8: {  	_ =	swait.ge [sflag:s23], $0x1  }
0xa9: {  	[sflag:s23] =	ssyncset.done $0x0  }
0xaa: {  	s25 =	simm.s32 $0x1B8E;
	s24 =	sld [smem:$0x3FFE];
	[sflag:s23] =	ssyncadd.s32 $0xFFFFFFFF  }
0xab: {  	s26 =	simm.s32 $execute0_lowered;
	[smem:$0x3FD2] =	sst s25  }
0xac: {  	s5 =	sshll.u32 s26, $0x1;
	_ =	strace $0x80000046;
	[dreg:$0x1] =	wrdreg $0xFFFFFFFF  }
0xad: {  	s28 =	simm.s32 $_size_execute0_lowered;
	s3 =	sadd.s32 s3, s5;
	[dreg:$0x0] =	wrdreg $0x0  }
0xae: {  	s5 =	sshll.u32 s28, $0x1;
	[dreg:$0x2] =	wrdreg s3  }
0xaf: {  	[dreg:$0x3] =	wrdreg s5  }
0xb0: {  	[dreg:$0x4] =	wrdreg $0xC0  }
0xb1: {  	_ =	task [dreg:s7], $0x5FFFF  }
0xb2: {  	[dreg:$0x1] =	wrdreg $0xFFFFFFFF  }
0xb3: {  	[dreg:$0x0] =	wrdreg $0x60  }
0xb4: {  	[dreg:$0x2] =	wrdreg s24  }
0xb5: {  	[dreg:$0x3] =	wrdreg s16  }
0xb6: {  	[dreg:$0x4] =	wrdreg $0x9  }
0xb7: {  	_ =	task.clear_ibuf [dreg:s7], $0x5FFFF;
	_ =	strace $0x90000046  }
0xb8: {  	s29 =	simm.s32 $0x9;
	_ =	strace $0x80000048  }
0xb9: {  	_ =	swait.ge [sflag:s29], $0x1  }
0xba: {  	[sflag:s29] =	ssyncadd.s32 $0xFFFFFFFF  }
0xbb: {  	_ =	strace $0x90000048  }
0xbc: {  	_ =	sfence  }
0xbd: {  	s30 =	sld [smem:$0x0];
	_ =	sdelay $0x2  }
0xbe: {  	s31 =	sshll.u32 s1, $0xD;
	s1 =	sshrl.u32 s1, $0x2  }
0xbf: {  	s3 =	sand.u32 $0x4000, s31;
	s1 =	sadd.s32 s1, s30  }
0xc0: {  	s0 =	sor.u32 s3, s0;
	s1 =	sshll.u32 s1, $0x11  }
0xc1: {  	s0 =	sor.u32 s1, s0  }
0xc2: {  	s0 =	sadd.s32 $0x8F2B, s0  }
0xc3: {  	[sflag:s0] =	ssyncadd.remote.s32 $0x1  }
0xc4: {  	_ =	sfence.sel $0xFFFF  }
0xc5: {  	[dreg:$0x0] =	wrdreg $0xFFFFFFFF;
	(pc) =	sbr.abs _section_cstart, $3  }
0xc6: {  	[dreg:$0x1] =	wrdreg $0xFFFFFFFF  }
0xc7: {  	_ =	task.clear_ibuf [dreg:s7], $0x2FFFF;
	_ =	strace $0x9FFFFFFF  }
0xc8: {  	(tm) =	ssettm $0x7FFFFFFF  }
0xc9: {  	_ =	shalt  }
tec
execute0_lowered:
.L_overlay_start_1:
0x0: {  	(tag) =	ssettag $0x1  }
0x1: {  	s4 =	rddreg [dreg:$0x0]  }
0x2: {  	s9 =	rddreg [dreg:$0x1]  }
0x3: {  	s0 =	rddreg [dreg:$0x2];
	s2 =	simm.s32 $0x0;
	s3 =	srdreg.scid  }
0x4: {  	s1 =	stileid.u32;
	s14 =	simm.s32 $0xC100;
	s15 =	simm.s32 $0x1  }
0x5: {  	s16 =	simm.s32 $0x100;
	s17 =	simm.s32 $0x4100;
	s18 =	simm.s32 $0x2  }
0x6: {  	s19 =	simm.s32 $0x3;
	s20 =	simm.s32 $0x4;
	s21 =	simm.s32 $0x10100  }
0x7: {  	s22 =	simm.s32 $0x5;
	s23 =	simm.s32 $0x0;
	[smem:$0x7FF] =	sst s2  }
0x8: {  	s5 =	sand.u32 $0x1, s3;
	s25 =	sshll.u32 s1, $0x1;
	s3 =	sadd.s32 $0x600, s4  }
0x9: {  	s7 =	sadd.s32 $0x20600, s4;
	_ =	strace $0x80000047;
	s6 =	sor.u32 s5, s25  }
0xa: {  	s26 =	ssub.s32 $0x2, s5;
	s8 =	sshll.u32 s6, $0x4;
	s28 =	sshll.u32 s6, $0x8  }
0xb: {  	s29 =	sshrl.u32 s26, $0x1;
	s11 =	sshll.u32 s6, $0x5;
	s30 =	sshll.u32 s6, $0xC  }
0xc: {  	s10 =	sadd.s32 s8, s4;
	s12 =	sor.u32 $0x80, s28;
	s13 =	ssub.s32 s26, s29  }
0xd: {  	s4 =	sadd.s32 s7, s11;
	s6 =	sadd.s32 s3, s30;
	s8 =	sadd.s32 s9, s30  }
0xe: {  	s5 =	sshrl.u32 s12, $0x3;
	s31 =	sshll.u32 s12, $0x4;
	s10 =	sadd.s32 $0x20A00, s10  }
0xf: {  	s11 =	smax.u32 s13, $0x1;
	s12 =	simm.s32 $0x80;
	s13 =	simm.s32 $0x8100  }
0x10: {  	s5 =	sadd.s32 s7, s5;
	s7 =	sadd.s32 s3, s31;
	s9 =	sadd.s32 s9, s31  }
.LBB2_1:
0x11: {  	[tilespmem:s2], [sflag:$0x1] =	stream.linear.gather [hbm4b:s4+s2], $0x80, $0x38;
	[tilespmem:$0x10180] =	vst v63  }
0x12: {  	_ = 	snop  }
0x13: {  	[tilespmem:s12], [sflag:$0x1] =	stream.linear.gather [hbm4b:s5+s2], $0x80, $0x38;
	[tilespmem:$0x10180] =	vst v63  }
0x14: {  	_ = 	snop  }
0x15: {  	[tilespmem:s13], [sflag:$0x2] =	stream.linear.gather [hbm4b:s6+s2], $0x4000, $0x38;
	[tilespmem:$0x10180] =	vst v63  }
0x16: {  	_ = 	snop  }
0x17: {  	[tilespmem:s14], [sflag:$0x2] =	stream.linear.gather [hbm4b:s7+s2], $0x4000, $0x38;
	[tilespmem:$0x10180] =	vst v63  }
0x18: {  	_ =	swait.ge [sflag:s15], $0x80  }
0x19: {  	[sflag:s15] =	ssyncset.done $0x0  }
0x1a: {  	[sflag:s15] =	ssyncadd.s32 $0xFFFFFF80  }
0x1b: {  	_ =	swait.ge [sflag:s15], $0x80  }
0x1c: {  	[sflag:s15] =	ssyncset.done $0x0  }
0x1d: {  	[sflag:s15] =	ssyncadd.s32 $0xFFFFFF80  }
0x1e: {  	[tilespmem:s16], [sflag:$0x3] =	stream.indirect.gather [hbm4b:s3+s12], $0x80, s2, s12, $0xb8;
	[tilespmem:$0x10180] =	vst v63  }
0x1f: {  	_ = 	snop  }
0x20: {  	[tilespmem:s17], [sflag:$0x3] =	stream.indirect.gather [hbm4b:s3+s12], $0x80, s12, s12, $0xb8;
	[tilespmem:$0x10180] =	vst v63  }
0x21: {  	_ =	swait.ge [sflag:s18], $0x4000  }
0x22: {  	[sflag:s18] =	ssyncset.done $0x0  }
0x23: {  	[sflag:s18] =	ssyncadd.s32 $0xFFFFC000  }
0x24: {  	_ =	swait.ge [sflag:s18], $0x4000  }
0x25: {  	[sflag:s18] =	ssyncset.done $0x0  }
0x26: {  	[sflag:s18] =	ssyncadd.s32 $0xFFFFC000  }
0x27: {  	_ =	swait.ge [sflag:s19], $0x4000  }
0x28: {  	[sflag:s19] =	ssyncset.done $0x0  }
0x29: {  	[sflag:s19] =	ssyncadd.s32 $0xFFFFC000  }
0x2a: {  	_ =	swait.ge [sflag:s19], $0x4000  }
0x2b: {  	[sflag:s19] =	ssyncset.done $0x0  }
0x2c: {  	[sflag:s19] =	ssyncadd.s32 $0xFFFFC000  }
0x2d: {  	[hbm4b:s8+s2] =	stream.linear.scatter [tilespmem:s16], [sflag:$0x4], $0x4000, $0x38;
	[tilespmem:$0x10180] =	vst v63  }
0x2e: {  	s25 =	simm.s32 $0x0  }
0x2f: {  	[hbm4b:s9+s2] =	stream.linear.scatter [tilespmem:s17], [sflag:$0x4], $0x4000, $0x38;
	[tilespmem:$0x10180] =	vst v63  }
0x30: {  	v0 =	vld [tilespmem:s25+$0x8100]  }
0x31: {  	v1 =	vld [tilespmem:s25+$0x100]  }
0x32: {  	v2 =	vld [tilespmem:s25+$0x8110]  }
0x33: {  	v3 =	vld [tilespmem:s25+$0x110]  }
0x34: {  	v4 =	vld [tilespmem:s25+$0x8120]  }
0x35: {  	v5 =	vld [tilespmem:s25+$0x120]  }
0x36: {  	v6 =	vld [tilespmem:s25+$0x130];
	v0 =	vsub.f32 v0, v1  }
0x37: {  	v1 =	vld [tilespmem:s25+$0x8130]  }
0x38: {  	v7 =	vld [tilespmem:s25+$0x8140];
	v2 =	vsub.f32 v2, v3;
	v0 =	vmul.f32 v0, v0  }
0x39: {  	v8 =	vld [tilespmem:s25+$0x140];
	v3 =	vimm.f32 $0.0e+00  }
0x3a: {  	v9 =	vld [tilespmem:s25+$0x8150];
	v2 =	vmul.f32 v2, v2;
	v0 =	vadd.f32 v0, v3;
	v3 =	vsub.f32 v4, v5  }
0x3b: {  	v10 =	vld [tilespmem:s25+$0x150]  }
0x3c: {  	v1 =	vsub.f32 v1, v6;
	v2 =	vadd.f32 v2, v0;
	v4 =	vmul.f32 v3, v3;
	v0 =	vld [tilespmem:s25+$0x8160]  }
0x3d: {  	v3 =	vld [tilespmem:s25+$0x160]  }
0x3e: {  	v7 =	vsub.f32 v7, v8;
	v6 =	vmul.f32 v1, v1;
	v1 =	vld [tilespmem:s25+$0x8170];
	v5 =	vadd.f32 v4, v2  }
0x3f: {  	s24 =	simm.s32 $0x80;
	v4 =	vld [tilespmem:s25+$0x170]  }
0x40: {  	v2 =	vld [tilespmem:s24+$0x8100];
	s25 =	simm.s32 $0x400;
	v5 =	vadd.f32 v6, v5;
	v6 =	vmul.f32 v7, v7;
	v7 =	vsub.f32 v9, v10  }
.LBB2_2:
0x41: {  	p0 =	sne.s32 s25, $0xFE00;
	v8 =	vld [tilespmem:s24+$0x100]  }
0x42: {  	v9 =	vld [tilespmem:s24+$0x8110];
	v5 =	vadd.f32 v6, v5;
	v6 =	vmul.f32 v7, v7;
	v0 =	vsub.f32 v0, v3  }
0x43: {  	v3 =	vld [tilespmem:s24+$0x110]  }
0x44: {  	v7 =	vld [tilespmem:s24+$0x8120];
	v5 =	vadd.f32 v6, v5;
	v0 =	vmul.f32 v0, v0;
	v1 =	vsub.f32 v1, v4  }
0x45: {  	v4 =	vld [tilespmem:s24+$0x120]  }
0x46: {  	v2 =	vsub.f32 v2, v8;
	v6 =	vld [tilespmem:s24+$0x8130];
	v0 =	vadd.f32 v0, v5;
	v1 =	vmul.f32 v1, v1  }
0x47: {  	v5 =	vld [tilespmem:s24+$0x130]  }
0x48: {  	v2 =	vmul.f32 v2, v2;
	v3 =	vsub.f32 v9, v3;
	v8 =	vld [tilespmem:s24+$0x8140];
	v0 =	vadd.f32 v1, v0  }
0x49: {  	v1 =	vld [tilespmem:s24+$0x140]  }
0x4a: {  	v0 =	vadd.f32 v2, v0;
	v2 =	vmul.f32 v3, v3;
	v3 =	vsub.f32 v7, v4;
	v7 =	vld [tilespmem:s24+$0x8150]  }
0x4b: {  	v9 =	vld [tilespmem:s24+$0x150]  }
.Ltmp0:
0x4c: {  	v2 =	vadd.f32 v2, v0;
	v4 =	vmul.f32 v3, v3;
	v5 =	vsub.f32 v6, v5;
	v0 =	vld [tilespmem:s24+$0x8160];
	(pc) =	sbr.rel @p0 .LBB2_2-.Ltmp0, $4  }
0x4d: {  	v3 =	vld [tilespmem:s24+$0x160]  }
0x4e: {  	v6 =	vadd.f32 v4, v2;
	v5 =	vmul.f32 v5, v5;
	v8 =	vsub.f32 v8, v1;
	v1 =	vld [tilespmem:s24+$0x8170]  }
0x4f: {  	v4 =	vld [tilespmem:s24+$0x170];
	s24 =	sshra.s32 s25, $0x2  }
0x50: {  	s25 =	sadd.s32 $0x200, s25;
	v2 =	vld [tilespmem:s24+$0x8100];
	v5 =	vadd.f32 v5, v6;
	v6 =	vmul.f32 v8, v8;
	v7 =	vsub.f32 v7, v9  }
0x51: {  	v8 =	vld [tilespmem:s24+$0x100]  }
0x52: {  	v9 =	vld [tilespmem:s24+$0x8110];
	v5 =	vadd.f32 v6, v5;
	v6 =	vmul.f32 v7, v7;
	v0 =	vsub.f32 v0, v3  }
0x53: {  	v3 =	vld [tilespmem:s24+$0x110]  }
0x54: {  	v7 =	vld [tilespmem:s24+$0x8120];
	v5 =	vadd.f32 v6, v5;
	v0 =	vmul.f32 v0, v0;
	v1 =	vsub.f32 v1, v4  }
0x55: {  	v4 =	vld [tilespmem:s24+$0x120]  }
0x56: {  	v6 =	vld [tilespmem:s24+$0x8130];
	v2 =	vsub.f32 v2, v8;
	v0 =	vadd.f32 v0, v5;
	v1 =	vmul.f32 v1, v1  }
0x57: {  	v5 =	vld [tilespmem:s24+$0x130]  }
0x58: {  	v8 =	vld [tilespmem:s24+$0x8140];
	v3 =	vsub.f32 v9, v3;
	v2 =	vmul.f32 v2, v2;
	v0 =	vadd.f32 v1, v0  }
0x59: {  	v1 =	vld [tilespmem:s24+$0x140]  }
0x5a: {  	v0 =	vadd.f32 v2, v0;
	v2 =	vmul.f32 v3, v3;
	v3 =	vsub.f32 v7, v4;
	v4 =	vld [tilespmem:s24+$0x8150]  }
0x5b: {  	v7 =	vld [tilespmem:s24+$0x150]  }
0x5c: {  	v0 =	vadd.f32 v2, v0;
	v2 =	vmul.f32 v3, v3;
	v3 =	vsub.f32 v6, v5;
	v5 =	vld [tilespmem:s24+$0x8160]  }
0x5d: {  	v6 =	vld [tilespmem:s24+$0x160]  }
0x5e: {  	v1 =	vsub.f32 v8, v1;
	v8 =	vld [tilespmem:s24+$0x170];
	v0 =	vadd.f32 v2, v0;
	v2 =	vmul.f32 v3, v3  }
0x5f: {  	s25 =	simm.s32 $0x0;
	v3 =	vld [tilespmem:s24+$0x8170]  }
0x60: {  	v1 =	vmul.f32 v1, v1;
	v0 =	vadd.f32 v2, v0;
	v2 =	vsub.f32 v4, v7;
	v4 =	vld [tilespmem:s25+$0xC100]  }
0x61: {  	v7 =	vld [tilespmem:s25+$0x4100]  }
0x62: {  	v0 =	vadd.f32 v1, v0;
	v1 =	vmul.f32 v2, v2;
	v2 =	vsub.f32 v5, v6;
	v5 =	vld [tilespmem:s25+$0xC110]  }
0x63: {  	v6 =	vld [tilespmem:s25+$0x4110]  }
0x64: {  	v0 =	vadd.f32 v1, v0;
	v1 =	vmul.f32 v2, v2;
	v2 =	vsub.f32 v3, v8;
	v3 =	vld [tilespmem:s25+$0xC120]  }
0x65: {  	v8 =	vld [tilespmem:s25+$0x4120]  }
0x66: {  	v0 =	vadd.f32 v1, v0;
	v1 =	vmul.f32 v2, v2;
	v2 =	vsub.f32 v4, v7;
	v4 =	vld [tilespmem:s25+$0xC130]  }
0x67: {  	v7 =	vld [tilespmem:s25+$0x4130]  }
0x68: {  	v0 =	vadd.f32 v1, v0;
	v1 =	vmul.f32 v2, v2;
	v2 =	vsub.f32 v5, v6;
	v5 =	vld [tilespmem:s25+$0xC140]  }
0x69: {  	v6 =	vld [tilespmem:s25+$0x4140]  }
0x6a: {  	v63 =	vld [tilespmem:s25+$0x4150];
	v0 =	vadd.f32 v1, v0;
	v1 =	vmul.f32 v2, v2;
	v2 =	vsub.f32 v3, v8  }
0x6b: {  	v8 =	vld [tilespmem:s25+$0xC150]  }
0x6c: {  	v3 =	vld [tilespmem:s25+$0x4160];
	v4 =	vsub.f32 v4, v7;
	v1 =	vadd.f32 v1, v0;
	v2 =	vmul.f32 v2, v2  }
0x6d: {  	v0 =	vld [tilespmem:s25+$0xC160]  }
0x6e: {  	v10 =	vmul.f32 v4, v4;
	v6 =	vsub.f32 v5, v6;
	v4 =	vld [tilespmem:s25+$0x4170];
	v7 =	vadd.f32 v2, v1  }
0x6f: {  	s24 =	simm.s32 $0x80;
	v1 =	vld [tilespmem:s25+$0xC170]  }
0x70: {  	v2 =	vld [tilespmem:s24+$0xC100];
	s25 =	simm.s32 $0x400;
	v6 =	vmul.f32 v6, v6;
	v5 =	vadd.f32 v10, v7;
	v7 =	vsub.f32 v8, v63  }
.LBB2_4:
0x71: {  	p0 =	sne.s32 s25, $0xFE00;
	v8 =	vld [tilespmem:s24+$0x4100]  }
0x72: {  	v9 =	vld [tilespmem:s24+$0xC110];
	v5 =	vadd.f32 v6, v5;
	v6 =	vmul.f32 v7, v7;
	v0 =	vsub.f32 v0, v3  }
0x73: {  	v3 =	vld [tilespmem:s24+$0x4110]  }
0x74: {  	v7 =	vld [tilespmem:s24+$0xC120];
	v5 =	vadd.f32 v6, v5;
	v0 =	vmul.f32 v0, v0;
	v1 =	vsub.f32 v1, v4  }
0x75: {  	v4 =	vld [tilespmem:s24+$0x4120]  }
0x76: {  	v2 =	vsub.f32 v2, v8;
	v6 =	vld [tilespmem:s24+$0xC130];
	v0 =	vadd.f32 v0, v5;
	v1 =	vmul.f32 v1, v1  }
0x77: {  	v5 =	vld [tilespmem:s24+$0x4130]  }
0x78: {  	v2 =	vmul.f32 v2, v2;
	v3 =	vsub.f32 v9, v3;
	v8 =	vld [tilespmem:s24+$0xC140];
	v0 =	vadd.f32 v1, v0  }
0x79: {  	v1 =	vld [tilespmem:s24+$0x4140]  }
0x7a: {  	v0 =	vadd.f32 v2, v0;
	v2 =	vmul.f32 v3, v3;
	v3 =	vsub.f32 v7, v4;
	v7 =	vld [tilespmem:s24+$0xC150]  }
0x7b: {  	v9 =	vld [tilespmem:s24+$0x4150]  }
.Ltmp1:
0x7c: {  	v2 =	vadd.f32 v2, v0;
	v4 =	vmul.f32 v3, v3;
	v5 =	vsub.f32 v6, v5;
	v0 =	vld [tilespmem:s24+$0xC160];
	(pc) =	sbr.rel @p0 .LBB2_4-.Ltmp1, $4  }
0x7d: {  	v3 =	vld [tilespmem:s24+$0x4160]  }
0x7e: {  	v6 =	vadd.f32 v4, v2;
	v5 =	vmul.f32 v5, v5;
	v8 =	vsub.f32 v8, v1;
	v1 =	vld [tilespmem:s24+$0xC170]  }
0x7f: {  	v4 =	vld [tilespmem:s24+$0x4170];
	s24 =	sshra.s32 s25, $0x2  }
0x80: {  	s25 =	sadd.s32 $0x200, s25;
	v2 =	vld [tilespmem:s24+$0xC100];
	v5 =	vadd.f32 v5, v6;
	v6 =	vmul.f32 v8, v8;
	v7 =	vsub.f32 v7, v9  }
0x81: {  	v8 =	vld [tilespmem:s24+$0x4100]  }
0x82: {  	v9 =	vld [tilespmem:s24+$0xC110];
	v5 =	vadd.f32 v6, v5;
	v39 =	vmul.f32 v7, v7;
	v0 =	vsub.f32 v0, v3  }
0x83: {  	v40 =	vld [tilespmem:s24+$0x4110]  }
0x84: {  	v41 =	vld [tilespmem:s24+$0xC120];
	v5 =	vadd.f32 v39, v5;
	v0 =	vmul.f32 v0, v0;
	v1 =	vsub.f32 v1, v4  }
0x85: {  	v42 =	vld [tilespmem:s24+$0x4120]  }
0x86: {  	v43 =	vld [tilespmem:s24+$0xC130];
	v2 =	vsub.f32 v2, v8;
	v0 =	vadd.f32 v0, v5;
	v1 =	vmul.f32 v1, v1  }
0x87: {  	v44 =	vld [tilespmem:s24+$0x4130]  }
0x88: {  	v45 =	vld [tilespmem:s24+$0xC140];
	v3 =	vsub.f32 v9, v40;
	v2 =	vmul.f32 v2, v2;
	v0 =	vadd.f32 v1, v0  }
0x89: {  	v46 =	vld [tilespmem:s24+$0x4140]  }
0x8a: {  	v49 =	vld [tilespmem:s24+$0xC150];
	v48 =	vsub.f32 v41, v42;
	v47 =	vmul.f32 v3, v3;
	v0 =	vadd.f32 v2, v0  }
0x8b: {  	v50 =	vld [tilespmem:s24+$0x4150]  }
0x8c: {  	v53 =	vld [tilespmem:s24+$0xC160];
	v52 =	vsub.f32 v43, v44;
	v51 =	vmul.f32 v48, v48;
	v0 =	vadd.f32 v47, v0  }
0x8d: {  	v54 =	vld [tilespmem:s24+$0x4160]  }
0x8e: {  	v56 =	vld [tilespmem:s24+$0xC170];
	v55 =	vmul.f32 v52, v52;
	v1 =	vsub.f32 v45, v46;
	v0 =	vadd.f32 v51, v0  }
0x8f: {  	v57 =	vld [tilespmem:s24+$0x4170]  }
0x90: {  	v58 =	vsub.f32 v49, v50;
	v1 =	vmul.f32 v1, v1;
	v0 =	vadd.f32 v55, v0;
	_ =	sdelay $0x1  }
0x91: {  	v60 =	vsub.f32 v53, v54;
	v59 =	vmul.f32 v58, v58;
	v0 =	vadd.f32 v1, v0;
	_ =	sdelay $0x1  }
0x92: {  	v62 =	vsub.f32 v56, v57;
	v61 =	vmul.f32 v60, v60;
	v0 =	vadd.f32 v59, v0;
	_ =	sdelay $0x1  }
0x93: {  	v63 =	vmul.f32 v62, v62;
	v0 =	vadd.f32 v61, v0;
	_ =	sdelay $0x1  }
0x94: {  	v0 =	vadd.f32 v63, v0;
	_ =	sdelay $0x1  }
0x95: {  	[tilespmem:$0x10100] =	vst v0  }
0x96: {  	_ =	swait.ge [sflag:s20], $0x4000  }
0x97: {  	[sflag:s20] =	ssyncset.done $0x0  }
0x98: {  	[sflag:s20] =	ssyncadd.s32 $0xFFFFC000  }
0x99: {  	s23 =	sadd.s32 $0x1, s23;
	_ =	swait.ge [sflag:s20], $0x4000  }
0x9a: {  	p0 =	sne.s32 s23, s11;
	[sflag:s20] =	ssyncset.done $0x0  }
.Ltmp2:
0x9b: {  	[sflag:s20] =	ssyncadd.s32 $0xFFFFC000;
	(pc) =	sbr.rel @p0 .LBB2_1-.Ltmp2, $4  }
0x9c: {  	[hbm4b:s10+s2] =	stream.linear.scatter [tilespmem:s21], [sflag:$0x5], $0x80, $0x38;
	[tilespmem:$0x10180] =	vst v63  }
0x9d: {  	_ =	swait.ge [sflag:s22], $0x80  }
0x9e: {  	[sflag:s22] =	ssyncset.done $0x0  }
0x9f: {  	[sflag:s22] =	ssyncadd.s32 $0xFFFFFF80  }
0xa0: {  	_ =	sfence.sel $0x180000  }
0xa1: {  	[bflag:$0x0] =	sbarrier.arrive $0xFFFF  }
0xa2: {  	p0 =	sne.s32 s1, $0x0;
	_ =	strace $0x90000047  }
0xa3: {  	s0 =	sadd.s32 @!p0 $0x100000, s0;
	[bflag:$0x2] =	sbarrier.arrive $0xFFFF  }
0xa4: {  	[sflag:s0] =	ssyncadd.tile.s32 @!p0 $0x1;
	_ =	shalt  }
.Lfunc_end2:
_tile_overlayer_lowered:
.L_overlay_start_2:
0xa5: {  	(tag) =	ssettag $0x2  }
0xa6: {  	s0 =	rddreg [dreg:$0x0];
	s2 =	stileid.u32  }
0xa7: {  	s1 =	rddreg [dreg:$0x1];
	p0 =	sne.s32 s2, $0x0  }
0xa8: {  	s3 =	rddreg [dreg:$0x2];
	[bflag:$0x3] =	sbarrier.arrive $0xFFFF;
	s2 =	simm.s32 @!p0 $0x1C05  }
0xa9: {  	[timem:s3], [sflag:s2] =	dma.local @!p0 [hbm:s0], s1  }
0xaa: {  	s0 =	simm.s32 @!p0 $0x5  }
0xab: {  	_ =	swait.ge @!p0 [sflag:s0], s1  }
0xac: {  	s1 =	ssub.s32 @!p0 $0x0, s1;
	[sflag:s0] =	ssyncset.done @!p0 $0x0  }
0xad: {  	[sflag:s0] =	ssyncadd.s32 @!p0 s1  }
0xae: {  	[bflag:$0x3] =	sbarrier.arrive $0xFFFF  }
0xaf: {  	_ =	shalt  }

</sc_bundles>
